<compile_context>
chip_gen: v7x
topology: tpu7x:2x2x1
jax: 0.10.2.dev20260603
libtpu: 0.0.44.dev20260713+nightly
codegen_flags: <defaults>
</compile_context>

<pallas_src>
import functools

import jax
import jax.numpy as jnp
import numpy as np
from jax import lax
from jax.experimental import pallas as pl
from jax.experimental.pallas import tpu as pltpu
from jax.experimental.pallas import tpu_sc as plsc

_B = 4096
_D = 64
_NS = 26
_NSP = 32
_HS = _NSP // 2
_V = 4823
_NSPLIT = 2
_BH = _B // _NSPLIT

_NC = 2
_NSC = 16
_NW = _NC * _NSC
_CH = 128

_sc_mesh = plsc.VectorSubcoreMesh(core_axis_name="c", subcore_axis_name="s")


def _make_sc_gather(nb):
    spw = nb // _NW
    rpw = spw * _NSP
    nch = rpw // _CH
    assert rpw % _CH == 0

    @functools.partial(
        pl.kernel,
        mesh=_sc_mesh,
        compiler_params=pltpu.CompilerParams(use_tc_tiling_on_sc=False),
        out_type=jax.ShapeDtypeStruct((nb * _NSP, _D), jnp.float32),
        scratch_types=[
            pltpu.VMEM((nch, _CH), jnp.int32),
            pltpu.VMEM((_CH, _D), jnp.float32),
            pltpu.VMEM((_CH, _D), jnp.float32),
            pltpu.SemaphoreType.DMA,
            pltpu.SemaphoreType.DMA,
            pltpu.SemaphoreType.DMA,
            pltpu.SemaphoreType.DMA,
        ],
    )
    def sc_gather(idx_hbm, table_hbm, out_hbm, idx_v, buf0, buf1, g0, g1, s0, s1):
        wid = lax.axis_index("s") * _NC + lax.axis_index("c")
        rbase = wid * rpw
        pltpu.sync_copy(idx_hbm.at[wid], idx_v)

        def body(h, carry):
            j0 = 2 * h
            j1 = 2 * h + 1
            c0 = pltpu.async_copy(table_hbm.at[idx_v.at[j0]], buf0, g0)
            c1 = pltpu.async_copy(table_hbm.at[idx_v.at[j1]], buf1, g1)
            c0.wait()
            w0 = pltpu.async_copy(
                buf0, out_hbm.at[pl.ds(rbase + j0 * _CH, _CH)], s0)
            c1.wait()
            w1 = pltpu.async_copy(
                buf1, out_hbm.at[pl.ds(rbase + j1 * _CH, _CH)], s1)
            w0.wait()
            w1.wait()
            return carry

        lax.fori_loop(0, nch // 2, body, 0)

    return sc_gather


_sc_gather_half = _make_sc_gather(_BH)

_BBLK = 256
_NBLK = _BH // _BBLK


def _tc_body(dense, y2p, wb1, wb2, wb3, wb4, wt1a, w22f, wt2, wt3, out):
    f32 = jnp.float32
    x = dense[:]
    y1 = jnp.maximum(jnp.dot(x, wb1[:], preferred_element_type=f32), 0.0)
    y1 = jnp.maximum(jnp.dot(y1, wb2[:], preferred_element_type=f32), 0.0)
    y1 = jnp.maximum(jnp.dot(y1, wb3[:], preferred_element_type=f32), 0.0)
    y1 = jnp.dot(y1, wb4[:], preferred_element_type=f32)

    t5 = y2p[:].reshape(_BBLK, _HS, 128)
    h0 = t5[:, :, :_D]
    h1 = t5[:, :, _D:]
    rid = lax.broadcasted_iota(jnp.int32, (_BBLK, _HS, _D), 1)
    y1b = lax.broadcast_in_dim(y1, (_BBLK, _HS, _D), (0, 2))
    h0 = jnp.where(rid == _NS // 2, y1b, h0)

    bdot = lambda a, b: lax.dot_general(
        a, b, dimension_numbers=(((2,), (2,)), ((0,), (0,))),
        preferred_element_type=f32)
    z00 = bdot(h0, h0).reshape(_BBLK, _HS * _HS)
    z01 = bdot(h0, h1).reshape(_BBLK, _HS * _HS)
    z11 = bdot(h1, h1).reshape(_BBLK, _HS * _HS)
    zf = jnp.concatenate([z00, z01, z11], axis=1)

    h = jnp.dot(y1, wt1a[:], preferred_element_type=f32)
    h = h + jnp.dot(zf, w22f[:], preferred_element_type=f32)
    h = jnp.maximum(h, 0.0)
    h = jnp.maximum(jnp.dot(h, wt2[:], preferred_element_type=f32), 0.0)
    out[:] = jax.nn.sigmoid(jnp.dot(h, wt3[:], preferred_element_type=f32))


def _const_spec(shape):
    return pl.BlockSpec(shape, lambda b: (0,) * len(shape))


_tc_call = pl.pallas_call(
    _tc_body,
    grid=(_NBLK,),
    in_specs=[
        pl.BlockSpec((_BBLK, 13), lambda b: (b, 0)),
        pl.BlockSpec((_BBLK * _HS, 128), lambda b: (b, 0)),
        _const_spec((13, 512)),
        _const_spec((512, 256)),
        _const_spec((256, 64)),
        _const_spec((64, _D)),
        _const_spec((_D, 512)),
        _const_spec((3 * _HS * _HS, 512)),
        _const_spec((512, 256)),
        _const_spec((256, 1)),
    ],
    out_specs=pl.BlockSpec((_BBLK, 1), lambda b: (b, 0)),
    out_shape=jax.ShapeDtypeStruct((_BH, 1), jnp.float32),
)


def _pair_idx(i, j):
    return i * (i - 1) // 2 + j


def _prep_weights(Wt1):
    wt1a = Wt1[:_D]
    wz = Wt1[_D:]
    q = _HS * _HS
    pos, rows = [], []

    def slot_col(a, b):
        ka, pa = divmod(a, 2)
        kb, pb = divmod(b, 2)
        if pa == 0 and pb == 0:
            return ka * _HS + kb
        if pa == 1 and pb == 1:
            return 2 * q + ka * _HS + kb
        if pa == 0 and pb == 1:
            return q + ka * _HS + kb
        return q + kb * _HS + ka

    for a in range(_NS):
        for b in range(a):
            pos.append(slot_col(a, b))
            rows.append(_pair_idx(a + 1, b + 1))
    for s in range(_NS):
        pos.append(slot_col(s, _NS))
        rows.append(_pair_idx(s + 1, 0))
    w22f = jnp.zeros((3 * q, 512), jnp.float32).at[
        jnp.asarray(pos, dtype=jnp.int32)].set(wz[jnp.asarray(rows)])
    return wt1a, w22f


def kernel(dense_input, sparse_input, emb, Wb1, Wb2, Wb3, Wb4, Wt1, Wt2, Wt3):
    wt1a, w22f = _prep_weights(Wt1)

    idx = sparse_input.astype(jnp.int32)
    idxp = jnp.concatenate([idx, idx[:, :_NSP - _NS]], axis=1).reshape(-1)
    outs = []
    for h in range(_NSPLIT):
        idx_h = idxp[h * _BH * _NSP:(h + 1) * _BH * _NSP].reshape(_NW, -1, _CH)
        y2p_h = _sc_gather_half(idx_h, emb)
        y2v = y2p_h.reshape(_BH * _HS, 2 * _D)
        dense_h = dense_input[h * _BH:(h + 1) * _BH]
        outs.append(_tc_call(dense_h, y2v, Wb1, Wb2, Wb3, Wb4,
                             wt1a, w22f, Wt2, Wt3))
    return jnp.concatenate(outs, axis=0)

# --- scband reference (transcript-rebuilt; emitter-appended) ---
"""Pipeline reference for scband-rmc2-criteo-70935679861559 (READ-ONLY COPY).

The authoritative reference and input builder live on the scoring server;
editing this copy changes nothing except your own understanding.
"""

import jax, jax.numpy as jnp
import numpy as np

B = 4096
D = 64
V = 4823
NS = 26
NI = NS + 1
# arch_interaction_itself=False -> offset=0 (strict lower triangle), as in DLRM
LI = np.array([i for i in range(NI) for j in range(i)])
LJ = np.array([j for i in range(NI) for j in range(i)])
NPAIRS = LI.shape[0]  # 351


def setup_inputs(seed: int = 0) -> dict:
    key = jax.random.key(seed)
    ks = jax.random.split(key, 10)
    dense_input = jax.random.normal(ks[0], (B, 13), dtype=jnp.float32)
    sparse_input = jax.random.randint(ks[1], (B, NS), 0, V)
    emb = jax.random.normal(ks[2], (V, D), dtype=jnp.float32) * 0.05
    Wb1 = jax.random.normal(ks[3], (13, 512), dtype=jnp.float32) * (1.0 / np.sqrt(13))
    Wb2 = jax.random.normal(ks[4], (512, 256), dtype=jnp.float32) * (1.0 / np.sqrt(512))
    Wb3 = jax.random.normal(ks[5], (256, 64), dtype=jnp.float32) * (1.0 / np.sqrt(256))
    Wb4 = jax.random.normal(ks[6], (64, D), dtype=jnp.float32) * (1.0 / np.sqrt(64))
    Wt1 = jax.random.normal(ks[7], (D + NPAIRS, 512), dtype=jnp.float32) * (1.0 / np.sqrt(D + NPAIRS))
    Wt2 = jax.random.normal(ks[8], (512, 256), dtype=jnp.float32) * (1.0 / np.sqrt(512))
    Wt3 = jax.random.normal(ks[9], (256, 1), dtype=jnp.float32) * (1.0 / np.sqrt(256))
    return {"dense_input": dense_input, "sparse_input": sparse_input, "emb": emb,
            "Wb1": Wb1, "Wb2": Wb2, "Wb3": Wb3, "Wb4": Wb4,
            "Wt1": Wt1, "Wt2": Wt2, "Wt3": Wt3}


def reference(dense_input, sparse_input, emb, Wb1, Wb2, Wb3, Wb4, Wt1, Wt2, Wt3):
    # bottom MLP (bias=False; last Linear has no ReLU)
    y1 = jax.nn.relu(dense_input @ Wb1)
    y1 = jax.nn.relu(y1 @ Wb2)
    y1 = jax.nn.relu(y1 @ Wb3)
    y1 = y1 @ Wb4
    # embedding lookup (SparseCore gather)
    y2 = jnp.take(emb, sparse_input, axis=0).reshape(B, NS * D)
    # dot-product feature interaction
    T = jnp.concatenate([y1, y2], axis=1).reshape(B, NI, D)
    Z = jnp.einsum('bid,bjd->bij', T, T)
    Zflat = Z[:, LI, LJ]
    R = jnp.concatenate([y1, Zflat], axis=1)
    # top MLP
    y = jax.nn.relu(R @ Wt1)
    y = jax.nn.relu(y @ Wt2)
    y = jax.nn.sigmoid(y @ Wt3)
    return y

if __name__ == "__main__":
    import jax
    _d = setup_inputs()
    print(jax.jit(kernel)(*tuple(_d.values())))

</pallas_src>

<mosaic_0001>
#map = affine_map<(d0, d1) -> (0, 0, 0)>
#map1 = affine_map<(d0, d1) -> (0, 0)>
module attributes {stable_mosaic.version = 14 : i64} {
  func.func @sc_gather(%arg0: i32, %arg1: i32, %arg2: memref<32x16x128xi32, #tpu.memory_space<hbm>>, %arg3: memref<4823x64xf32, #tpu.memory_space<hbm>>, %arg4: memref<65536x64xf32, #tpu.memory_space<hbm>>, %arg5: memref<16x128xi32, #tpu.memory_space<vmem>>, %arg6: memref<128x64xf32, #tpu.memory_space<vmem>>, %arg7: memref<128x64xf32, #tpu.memory_space<vmem>>, %arg8: memref<!tpu.dma_semaphore, #tpu.memory_space<semaphore_mem>>, %arg9: memref<!tpu.dma_semaphore, #tpu.memory_space<semaphore_mem>>, %arg10: memref<!tpu.dma_semaphore, #tpu.memory_space<semaphore_mem>>, %arg11: memref<!tpu.dma_semaphore, #tpu.memory_space<semaphore_mem>>) attributes {dimension_semantics = [#tpu.dimension_semantics<core_parallel>, #tpu.dimension_semantics<subcore_parallel>], iteration_bounds = array<i64: 2, 16>, scalar_prefetch = 0 : i64, scratch_operands = 7 : i64, tpu.core_type = #tpu.core_type<sc_vector_subcore>, window_params = [{transform_indices = #map}, {transform_indices = #map1}, {transform_indices = #map1}]} {
    %mul3A = arith.constant 2 : i32
    %mul3A_0 = arith.muli %arg1, %mul3A : i32
    %add3A = arith.addi %mul3A_0, %arg0 : i32
    %mul3A_1 = arith.constant 2048 : i32
    %mul3A_2 = arith.muli %add3A, %mul3A_1 : i32
    "tpu.region"() ({
      %run_scoped3A = tpu.sem_alloc : memref<!tpu.dma_semaphore, #tpu.memory_space<semaphore_mem>>
      %dma_start3A = arith.constant 0 : i32
      %dma_start3A_8 = arith.constant 0 : i32
      %dma_start3A_9 = tpu.memref_slice %arg2[%add3A, %dma_start3A, %dma_start3A_8] : memref<32x16x128xi32, #tpu.memory_space<hbm>> -> memref<1x16x128xi32, #tpu.memory_space<hbm>>
      %dma_start3A_10 = tpu.memref_squeeze %dma_start3A_9 : memref<1x16x128xi32, #tpu.memory_space<hbm>> -> memref<16x128xi32, #tpu.memory_space<hbm>>
      %dma_start3A_11 = arith.constant 0 : i32
      %dma_start3A_12 = arith.constant 0 : i32
      %dma_start3A_13 = tpu.memref_slice %arg2[%add3A, %dma_start3A_11, %dma_start3A_12] : memref<32x16x128xi32, #tpu.memory_space<hbm>> -> memref<1x16x128xi32, #tpu.memory_space<hbm>>
      %dma_start3A_14 = tpu.memref_squeeze %dma_start3A_13 : memref<1x16x128xi32, #tpu.memory_space<hbm>> -> memref<16x128xi32, #tpu.memory_space<hbm>>
      tpu.enqueue_dma source(%dma_start3A_14 : memref<16x128xi32, #tpu.memory_space<hbm>>) target(%arg5 : memref<16x128xi32, #tpu.memory_space<vmem>>) target_semaphore(%run_scoped3A : memref<!tpu.dma_semaphore, #tpu.memory_space<semaphore_mem>>)
      %dma_wait3A = arith.constant 0 : i32
      %dma_wait3A_15 = arith.constant 0 : i32
      %dma_wait3A_16 = tpu.memref_slice %arg2[%add3A, %dma_wait3A, %dma_wait3A_15] : memref<32x16x128xi32, #tpu.memory_space<hbm>> -> memref<1x16x128xi32, #tpu.memory_space<hbm>>
      %dma_wait3A_17 = tpu.memref_squeeze %dma_wait3A_16 : memref<1x16x128xi32, #tpu.memory_space<hbm>> -> memref<16x128xi32, #tpu.memory_space<hbm>>
      %dma_wait3A_18 = arith.constant 0 : i32
      %dma_wait3A_19 = arith.constant 0 : i32
      %dma_wait3A_20 = tpu.memref_slice %arg2[%add3A, %dma_wait3A_18, %dma_wait3A_19] : memref<32x16x128xi32, #tpu.memory_space<hbm>> -> memref<1x16x128xi32, #tpu.memory_space<hbm>>
      %dma_wait3A_21 = tpu.memref_squeeze %dma_wait3A_20 : memref<1x16x128xi32, #tpu.memory_space<hbm>> -> memref<16x128xi32, #tpu.memory_space<hbm>>
      tpu.wait_dma2 semaphore(%run_scoped3A : memref<!tpu.dma_semaphore, #tpu.memory_space<semaphore_mem>>) src(%dma_wait3A_21 : memref<16x128xi32, #tpu.memory_space<hbm>>) dst(%arg5 : memref<16x128xi32, #tpu.memory_space<vmem>>)
      tpu.yield
    }) : () -> ()
    %scan3A = arith.constant 0 : i32
    %scan3A_3 = arith.constant 0 : i32
    %scan3A_4 = arith.constant 8 : i32
    %scan3A_5 = arith.addi %scan3A_3, %scan3A_4 : i32
    %scan3A_6 = arith.constant 1 : i32
    scf.for %scan3A_8 = %scan3A_3 to %scan3A_5 step %scan3A_6  : i32 {
      %mul3A_9 = arith.constant 2 : i32
      %mul3A_10 = arith.muli %mul3A_9, %scan3A_8 : i32
      %mul3A_11 = arith.constant 2 : i32
      %mul3A_12 = arith.muli %mul3A_11, %scan3A_8 : i32
      %add3A_13 = arith.constant 1 : i32
      %add3A_14 = arith.addi %mul3A_12, %add3A_13 : i32
      %dma_start3A = arith.constant 0 : i32
      %dma_start3A_15 = tpu.memref_slice %arg5[%mul3A_10, %dma_start3A] : memref<16x128xi32, #tpu.memory_space<vmem>> -> memref<1x128xi32, #tpu.memory_space<vmem>>
      %dma_start3A_16 = tpu.memref_squeeze %dma_start3A_15 : memref<1x128xi32, #tpu.memory_space<vmem>> -> memref<128xi32, #tpu.memory_space<vmem>>
      %dma_start3A_17 = arith.constant 0 : i32
      %dma_start3A_18 = arith.constant 0 : i32
      %dma_start3A_19 = tpu.memref_slice %arg3[%dma_start3A_17, %dma_start3A_18] : memref<4823x64xf32, #tpu.memory_space<hbm>> -> memref<4823x64xf32, #tpu.memory_space<hbm>>
      tpu.enqueue_indirect_dma source(%dma_start3A_19 : memref<4823x64xf32, #tpu.memory_space<hbm>>) target(%arg6 : memref<128x64xf32, #tpu.memory_space<vmem>>) offsets(%dma_start3A_16 : memref<128xi32, #tpu.memory_space<vmem>>) semaphore(%arg8 : memref<!tpu.dma_semaphore, #tpu.memory_space<semaphore_mem>>)
      %dma_start3A_20 = arith.constant 0 : i32
      %dma_start3A_21 = tpu.memref_slice %arg5[%add3A_14, %dma_start3A_20] : memref<16x128xi32, #tpu.memory_space<vmem>> -> memref<1x128xi32, #tpu.memory_space<vmem>>
      %dma_start3A_22 = tpu.memref_squeeze %dma_start3A_21 : memref<1x128xi32, #tpu.memory_space<vmem>> -> memref<128xi32, #tpu.memory_space<vmem>>
      %dma_start3A_23 = arith.constant 0 : i32
      %dma_start3A_24 = arith.constant 0 : i32
      %dma_start3A_25 = tpu.memref_slice %arg3[%dma_start3A_23, %dma_start3A_24] : memref<4823x64xf32, #tpu.memory_space<hbm>> -> memref<4823x64xf32, #tpu.memory_space<hbm>>
      tpu.enqueue_indirect_dma source(%dma_start3A_25 : memref<4823x64xf32, #tpu.memory_space<hbm>>) target(%arg7 : memref<128x64xf32, #tpu.memory_space<vmem>>) offsets(%dma_start3A_22 : memref<128xi32, #tpu.memory_space<vmem>>) semaphore(%arg9 : memref<!tpu.dma_semaphore, #tpu.memory_space<semaphore_mem>>)
      %dma_wait3A = arith.constant 0 : i32
      %dma_wait3A_26 = tpu.memref_slice %arg5[%mul3A_10, %dma_wait3A] : memref<16x128xi32, #tpu.memory_space<vmem>> -> memref<1x128xi32, #tpu.memory_space<vmem>>
      %dma_wait3A_27 = tpu.memref_squeeze %dma_wait3A_26 : memref<1x128xi32, #tpu.memory_space<vmem>> -> memref<128xi32, #tpu.memory_space<vmem>>
      %dma_wait3A_28 = arith.constant 0 : i32
      %dma_wait3A_29 = arith.constant 0 : i32
      %dma_wait3A_30 = tpu.memref_slice %arg3[%dma_wait3A_28, %dma_wait3A_29] : memref<4823x64xf32, #tpu.memory_space<hbm>> -> memref<4823x64xf32, #tpu.memory_space<hbm>>
      tpu.wait_indirect_dma semaphore(%arg8 : memref<!tpu.dma_semaphore, #tpu.memory_space<semaphore_mem>>) src(%dma_wait3A_30 : memref<4823x64xf32, #tpu.memory_space<hbm>>) dst(%arg6 : memref<128x64xf32, #tpu.memory_space<vmem>>)
      %mul3A_31 = arith.constant 128 : i32
      %mul3A_32 = arith.muli %mul3A_10, %mul3A_31 : i32
      %add3A_33 = arith.addi %mul3A_2, %mul3A_32 : i32
      %dma_start3A_34 = arith.constant 0 : i32
      %dma_start3A_35 = tpu.memref_slice %arg4[%add3A_33, %dma_start3A_34] : memref<65536x64xf32, #tpu.memory_space<hbm>> -> memref<128x64xf32, #tpu.memory_space<hbm>>
      %dma_start3A_36 = arith.constant 0 : i32
      %dma_start3A_37 = tpu.memref_slice %arg4[%add3A_33, %dma_start3A_36] : memref<65536x64xf32, #tpu.memory_space<hbm>> -> memref<128x64xf32, #tpu.memory_space<hbm>>
      tpu.enqueue_dma source(%arg6 : memref<128x64xf32, #tpu.memory_space<vmem>>) target(%dma_start3A_37 : memref<128x64xf32, #tpu.memory_space<hbm>>) target_semaphore(%arg10 : memref<!tpu.dma_semaphore, #tpu.memory_space<semaphore_mem>>)
      %dma_wait3A_38 = arith.constant 0 : i32
      %dma_wait3A_39 = tpu.memref_slice %arg5[%add3A_14, %dma_wait3A_38] : memref<16x128xi32, #tpu.memory_space<vmem>> -> memref<1x128xi32, #tpu.memory_space<vmem>>
      %dma_wait3A_40 = tpu.memref_squeeze %dma_wait3A_39 : memref<1x128xi32, #tpu.memory_space<vmem>> -> memref<128xi32, #tpu.memory_space<vmem>>
      %dma_wait3A_41 = arith.constant 0 : i32
      %dma_wait3A_42 = arith.constant 0 : i32
      %dma_wait3A_43 = tpu.memref_slice %arg3[%dma_wait3A_41, %dma_wait3A_42] : memref<4823x64xf32, #tpu.memory_space<hbm>> -> memref<4823x64xf32, #tpu.memory_space<hbm>>
      tpu.wait_indirect_dma semaphore(%arg9 : memref<!tpu.dma_semaphore, #tpu.memory_space<semaphore_mem>>) src(%dma_wait3A_43 : memref<4823x64xf32, #tpu.memory_space<hbm>>) dst(%arg7 : memref<128x64xf32, #tpu.memory_space<vmem>>)
      %mul3A_44 = arith.constant 128 : i32
      %mul3A_45 = arith.muli %add3A_14, %mul3A_44 : i32
      %add3A_46 = arith.addi %mul3A_2, %mul3A_45 : i32
      %dma_start3A_47 = arith.constant 0 : i32
      %dma_start3A_48 = tpu.memref_slice %arg4[%add3A_46, %dma_start3A_47] : memref<65536x64xf32, #tpu.memory_space<hbm>> -> memref<128x64xf32, #tpu.memory_space<hbm>>
      %dma_start3A_49 = arith.constant 0 : i32
      %dma_start3A_50 = tpu.memref_slice %arg4[%add3A_46, %dma_start3A_49] : memref<65536x64xf32, #tpu.memory_space<hbm>> -> memref<128x64xf32, #tpu.memory_space<hbm>>
      tpu.enqueue_dma source(%arg7 : memref<128x64xf32, #tpu.memory_space<vmem>>) target(%dma_start3A_50 : memref<128x64xf32, #tpu.memory_space<hbm>>) target_semaphore(%arg11 : memref<!tpu.dma_semaphore, #tpu.memory_space<semaphore_mem>>)
      %dma_wait3A_51 = arith.constant 0 : i32
      %dma_wait3A_52 = tpu.memref_slice %arg4[%add3A_33, %dma_wait3A_51] : memref<65536x64xf32, #tpu.memory_space<hbm>> -> memref<128x64xf32, #tpu.memory_space<hbm>>
      %dma_wait3A_53 = arith.constant 0 : i32
      %dma_wait3A_54 = tpu.memref_slice %arg4[%add3A_33, %dma_wait3A_53] : memref<65536x64xf32, #tpu.memory_space<hbm>> -> memref<128x64xf32, #tpu.memory_space<hbm>>
      tpu.wait_dma2 semaphore(%arg10 : memref<!tpu.dma_semaphore, #tpu.memory_space<semaphore_mem>>) src(%arg6 : memref<128x64xf32, #tpu.memory_space<vmem>>) dst(%dma_wait3A_54 : memref<128x64xf32, #tpu.memory_space<hbm>>)
      %dma_wait3A_55 = arith.constant 0 : i32
      %dma_wait3A_56 = tpu.memref_slice %arg4[%add3A_46, %dma_wait3A_55] : memref<65536x64xf32, #tpu.memory_space<hbm>> -> memref<128x64xf32, #tpu.memory_space<hbm>>
      %dma_wait3A_57 = arith.constant 0 : i32
      %dma_wait3A_58 = tpu.memref_slice %arg4[%add3A_46, %dma_wait3A_57] : memref<65536x64xf32, #tpu.memory_space<hbm>> -> memref<128x64xf32, #tpu.memory_space<hbm>>
      tpu.wait_dma2 semaphore(%arg11 : memref<!tpu.dma_semaphore, #tpu.memory_space<semaphore_mem>>) src(%arg7 : memref<128x64xf32, #tpu.memory_space<vmem>>) dst(%dma_wait3A_58 : memref<128x64xf32, #tpu.memory_space<hbm>>)
    }
    %scan3A_7 = arith.constant 8 : i32
    return
  }
}

#map = affine_map<(d0, d1) -> (0, 0, 0)>
#map1 = affine_map<(d0, d1) -> (0, 0)>
module attributes {stable_mosaic.version = 14 : i64} {
  func.func @sc_gather(%arg0: i32, %arg1: i32, %arg2: memref<32x16x128xi32, #tpu.memory_space<hbm>>, %arg3: memref<4823x64xf32, #tpu.memory_space<hbm>>, %arg4: memref<65536x64xf32, #tpu.memory_space<hbm>>, %arg5: memref<16x128xi32, #tpu.memory_space<vmem>>, %arg6: memref<128x64xf32, #tpu.memory_space<vmem>>, %arg7: memref<128x64xf32, #tpu.memory_space<vmem>>, %arg8: memref<!tpu.dma_semaphore, #tpu.memory_space<semaphore_mem>>, %arg9: memref<!tpu.dma_semaphore, #tpu.memory_space<semaphore_mem>>, %arg10: memref<!tpu.dma_semaphore, #tpu.memory_space<semaphore_mem>>, %arg11: memref<!tpu.dma_semaphore, #tpu.memory_space<semaphore_mem>>) attributes {dimension_semantics = [#tpu.dimension_semantics<core_parallel>, #tpu.dimension_semantics<subcore_parallel>], iteration_bounds = array<i64: 2, 16>, scalar_prefetch = 0 : i64, scratch_operands = 7 : i64, tpu.core_type = #tpu.core_type<sc_vector_subcore>, window_params = [{transform_indices = #map}, {transform_indices = #map1}, {transform_indices = #map1}]} {
    %mul3A = arith.constant 2 : i32
    %mul3A_0 = arith.muli %arg1, %mul3A : i32
    %add3A = arith.addi %mul3A_0, %arg0 : i32
    %mul3A_1 = arith.constant 2048 : i32
    %mul3A_2 = arith.muli %add3A, %mul3A_1 : i32
    "tpu.region"() ({
      %run_scoped3A = tpu.sem_alloc : memref<!tpu.dma_semaphore, #tpu.memory_space<semaphore_mem>>
      %dma_start3A = arith.constant 0 : i32
      %dma_start3A_8 = arith.constant 0 : i32
      %dma_start3A_9 = tpu.memref_slice %arg2[%add3A, %dma_start3A, %dma_start3A_8] : memref<32x16x128xi32, #tpu.memory_space<hbm>> -> memref<1x16x128xi32, #tpu.memory_space<hbm>>
      %dma_start3A_10 = tpu.memref_squeeze %dma_start3A_9 : memref<1x16x128xi32, #tpu.memory_space<hbm>> -> memref<16x128xi32, #tpu.memory_space<hbm>>
      %dma_start3A_11 = arith.constant 0 : i32
      %dma_start3A_12 = arith.constant 0 : i32
      %dma_start3A_13 = tpu.memref_slice %arg2[%add3A, %dma_start3A_11, %dma_start3A_12] : memref<32x16x128xi32, #tpu.memory_space<hbm>> -> memref<1x16x128xi32, #tpu.memory_space<hbm>>
      %dma_start3A_14 = tpu.memref_squeeze %dma_start3A_13 : memref<1x16x128xi32, #tpu.memory_space<hbm>> -> memref<16x128xi32, #tpu.memory_space<hbm>>
      tpu.enqueue_dma source(%dma_start3A_14 : memref<16x128xi32, #tpu.memory_space<hbm>>) target(%arg5 : memref<16x128xi32, #tpu.memory_space<vmem>>) target_semaphore(%run_scoped3A : memref<!tpu.dma_semaphore, #tpu.memory_space<semaphore_mem>>)
      %dma_wait3A = arith.constant 0 : i32
      %dma_wait3A_15 = arith.constant 0 : i32
      %dma_wait3A_16 = tpu.memref_slice %arg2[%add3A, %dma_wait3A, %dma_wait3A_15] : memref<32x16x128xi32, #tpu.memory_space<hbm>> -> memref<1x16x128xi32, #tpu.memory_space<hbm>>
      %dma_wait3A_17 = tpu.memref_squeeze %dma_wait3A_16 : memref<1x16x128xi32, #tpu.memory_space<hbm>> -> memref<16x128xi32, #tpu.memory_space<hbm>>
      %dma_wait3A_18 = arith.constant 0 : i32
      %dma_wait3A_19 = arith.constant 0 : i32
      %dma_wait3A_20 = tpu.memref_slice %arg2[%add3A, %dma_wait3A_18, %dma_wait3A_19] : memref<32x16x128xi32, #tpu.memory_space<hbm>> -> memref<1x16x128xi32, #tpu.memory_space<hbm>>
      %dma_wait3A_21 = tpu.memref_squeeze %dma_wait3A_20 : memref<1x16x128xi32, #tpu.memory_space<hbm>> -> memref<16x128xi32, #tpu.memory_space<hbm>>
      tpu.wait_dma2 semaphore(%run_scoped3A : memref<!tpu.dma_semaphore, #tpu.memory_space<semaphore_mem>>) src(%dma_wait3A_21 : memref<16x128xi32, #tpu.memory_space<hbm>>) dst(%arg5 : memref<16x128xi32, #tpu.memory_space<vmem>>)
      tpu.yield
    }) : () -> ()
    %scan3A = arith.constant 0 : i32
    %scan3A_3 = arith.constant 0 : i32
    %scan3A_4 = arith.constant 8 : i32
    %scan3A_5 = arith.addi %scan3A_3, %scan3A_4 : i32
    %scan3A_6 = arith.constant 1 : i32
    scf.for %scan3A_8 = %scan3A_3 to %scan3A_5 step %scan3A_6  : i32 {
      %mul3A_9 = arith.constant 2 : i32
      %mul3A_10 = arith.muli %mul3A_9, %scan3A_8 : i32
      %mul3A_11 = arith.constant 2 : i32
      %mul3A_12 = arith.muli %mul3A_11, %scan3A_8 : i32
      %add3A_13 = arith.constant 1 : i32
      %add3A_14 = arith.addi %mul3A_12, %add3A_13 : i32
      %dma_start3A = arith.constant 0 : i32
      %dma_start3A_15 = tpu.memref_slice %arg5[%mul3A_10, %dma_start3A] : memref<16x128xi32, #tpu.memory_space<vmem>> -> memref<1x128xi32, #tpu.memory_space<vmem>>
      %dma_start3A_16 = tpu.memref_squeeze %dma_start3A_15 : memref<1x128xi32, #tpu.memory_space<vmem>> -> memref<128xi32, #tpu.memory_space<vmem>>
      %dma_start3A_17 = arith.constant 0 : i32
      %dma_start3A_18 = arith.constant 0 : i32
      %dma_start3A_19 = tpu.memref_slice %arg3[%dma_start3A_17, %dma_start3A_18] : memref<4823x64xf32, #tpu.memory_space<hbm>> -> memref<4823x64xf32, #tpu.memory_space<hbm>>
      tpu.enqueue_indirect_dma source(%dma_start3A_19 : memref<4823x64xf32, #tpu.memory_space<hbm>>) target(%arg6 : memref<128x64xf32, #tpu.memory_space<vmem>>) offsets(%dma_start3A_16 : memref<128xi32, #tpu.memory_space<vmem>>) semaphore(%arg8 : memref<!tpu.dma_semaphore, #tpu.memory_space<semaphore_mem>>)
      %dma_start3A_20 = arith.constant 0 : i32
      %dma_start3A_21 = tpu.memref_slice %arg5[%add3A_14, %dma_start3A_20] : memref<16x128xi32, #tpu.memory_space<vmem>> -> memref<1x128xi32, #tpu.memory_space<vmem>>
      %dma_start3A_22 = tpu.memref_squeeze %dma_start3A_21 : memref<1x128xi32, #tpu.memory_space<vmem>> -> memref<128xi32, #tpu.memory_space<vmem>>
      %dma_start3A_23 = arith.constant 0 : i32
      %dma_start3A_24 = arith.constant 0 : i32
      %dma_start3A_25 = tpu.memref_slice %arg3[%dma_start3A_23, %dma_start3A_24] : memref<4823x64xf32, #tpu.memory_space<hbm>> -> memref<4823x64xf32, #tpu.memory_space<hbm>>
      tpu.enqueue_indirect_dma source(%dma_start3A_25 : memref<4823x64xf32, #tpu.memory_space<hbm>>) target(%arg7 : memref<128x64xf32, #tpu.memory_space<vmem>>) offsets(%dma_start3A_22 : memref<128xi32, #tpu.memory_space<vmem>>) semaphore(%arg9 : memref<!tpu.dma_semaphore, #tpu.memory_space<semaphore_mem>>)
      %dma_wait3A = arith.constant 0 : i32
      %dma_wait3A_26 = tpu.memref_slice %arg5[%mul3A_10, %dma_wait3A] : memref<16x128xi32, #tpu.memory_space<vmem>> -> memref<1x128xi32, #tpu.memory_space<vmem>>
      %dma_wait3A_27 = tpu.memref_squeeze %dma_wait3A_26 : memref<1x128xi32, #tpu.memory_space<vmem>> -> memref<128xi32, #tpu.memory_space<vmem>>
      %dma_wait3A_28 = arith.constant 0 : i32
      %dma_wait3A_29 = arith.constant 0 : i32
      %dma_wait3A_30 = tpu.memref_slice %arg3[%dma_wait3A_28, %dma_wait3A_29] : memref<4823x64xf32, #tpu.memory_space<hbm>> -> memref<4823x64xf32, #tpu.memory_space<hbm>>
      tpu.wait_indirect_dma semaphore(%arg8 : memref<!tpu.dma_semaphore, #tpu.memory_space<semaphore_mem>>) src(%dma_wait3A_30 : memref<4823x64xf32, #tpu.memory_space<hbm>>) dst(%arg6 : memref<128x64xf32, #tpu.memory_space<vmem>>)
      %mul3A_31 = arith.constant 128 : i32
      %mul3A_32 = arith.muli %mul3A_10, %mul3A_31 : i32
      %add3A_33 = arith.addi %mul3A_2, %mul3A_32 : i32
      %dma_start3A_34 = arith.constant 0 : i32
      %dma_start3A_35 = tpu.memref_slice %arg4[%add3A_33, %dma_start3A_34] : memref<65536x64xf32, #tpu.memory_space<hbm>> -> memref<128x64xf32, #tpu.memory_space<hbm>>
      %dma_start3A_36 = arith.constant 0 : i32
      %dma_start3A_37 = tpu.memref_slice %arg4[%add3A_33, %dma_start3A_36] : memref<65536x64xf32, #tpu.memory_space<hbm>> -> memref<128x64xf32, #tpu.memory_space<hbm>>
      tpu.enqueue_dma source(%arg6 : memref<128x64xf32, #tpu.memory_space<vmem>>) target(%dma_start3A_37 : memref<128x64xf32, #tpu.memory_space<hbm>>) target_semaphore(%arg10 : memref<!tpu.dma_semaphore, #tpu.memory_space<semaphore_mem>>)
      %dma_wait3A_38 = arith.constant 0 : i32
      %dma_wait3A_39 = tpu.memref_slice %arg5[%add3A_14, %dma_wait3A_38] : memref<16x128xi32, #tpu.memory_space<vmem>> -> memref<1x128xi32, #tpu.memory_space<vmem>>
      %dma_wait3A_40 = tpu.memref_squeeze %dma_wait3A_39 : memref<1x128xi32, #tpu.memory_space<vmem>> -> memref<128xi32, #tpu.memory_space<vmem>>
      %dma_wait3A_41 = arith.constant 0 : i32
      %dma_wait3A_42 = arith.constant 0 : i32
      %dma_wait3A_43 = tpu.memref_slice %arg3[%dma_wait3A_41, %dma_wait3A_42] : memref<4823x64xf32, #tpu.memory_space<hbm>> -> memref<4823x64xf32, #tpu.memory_space<hbm>>
      tpu.wait_indirect_dma semaphore(%arg9 : memref<!tpu.dma_semaphore, #tpu.memory_space<semaphore_mem>>) src(%dma_wait3A_43 : memref<4823x64xf32, #tpu.memory_space<hbm>>) dst(%arg7 : memref<128x64xf32, #tpu.memory_space<vmem>>)
      %mul3A_44 = arith.constant 128 : i32
      %mul3A_45 = arith.muli %add3A_14, %mul3A_44 : i32
      %add3A_46 = arith.addi %mul3A_2, %mul3A_45 : i32
      %dma_start3A_47 = arith.constant 0 : i32
      %dma_start3A_48 = tpu.memref_slice %arg4[%add3A_46, %dma_start3A_47] : memref<65536x64xf32, #tpu.memory_space<hbm>> -> memref<128x64xf32, #tpu.memory_space<hbm>>
      %dma_start3A_49 = arith.constant 0 : i32
      %dma_start3A_50 = tpu.memref_slice %arg4[%add3A_46, %dma_start3A_49] : memref<65536x64xf32, #tpu.memory_space<hbm>> -> memref<128x64xf32, #tpu.memory_space<hbm>>
      tpu.enqueue_dma source(%arg7 : memref<128x64xf32, #tpu.memory_space<vmem>>) target(%dma_start3A_50 : memref<128x64xf32, #tpu.memory_space<hbm>>) target_semaphore(%arg11 : memref<!tpu.dma_semaphore, #tpu.memory_space<semaphore_mem>>)
      %dma_wait3A_51 = arith.constant 0 : i32
      %dma_wait3A_52 = tpu.memref_slice %arg4[%add3A_33, %dma_wait3A_51] : memref<65536x64xf32, #tpu.memory_space<hbm>> -> memref<128x64xf32, #tpu.memory_space<hbm>>
      %dma_wait3A_53 = arith.constant 0 : i32
      %dma_wait3A_54 = tpu.memref_slice %arg4[%add3A_33, %dma_wait3A_53] : memref<65536x64xf32, #tpu.memory_space<hbm>> -> memref<128x64xf32, #tpu.memory_space<hbm>>
      tpu.wait_dma2 semaphore(%arg10 : memref<!tpu.dma_semaphore, #tpu.memory_space<semaphore_mem>>) src(%arg6 : memref<128x64xf32, #tpu.memory_space<vmem>>) dst(%dma_wait3A_54 : memref<128x64xf32, #tpu.memory_space<hbm>>)
      %dma_wait3A_55 = arith.constant 0 : i32
      %dma_wait3A_56 = tpu.memref_slice %arg4[%add3A_46, %dma_wait3A_55] : memref<65536x64xf32, #tpu.memory_space<hbm>> -> memref<128x64xf32, #tpu.memory_space<hbm>>
      %dma_wait3A_57 = arith.constant 0 : i32
      %dma_wait3A_58 = tpu.memref_slice %arg4[%add3A_46, %dma_wait3A_57] : memref<65536x64xf32, #tpu.memory_space<hbm>> -> memref<128x64xf32, #tpu.memory_space<hbm>>
      tpu.wait_dma2 semaphore(%arg11 : memref<!tpu.dma_semaphore, #tpu.memory_space<semaphore_mem>>) src(%arg7 : memref<128x64xf32, #tpu.memory_space<vmem>>) dst(%dma_wait3A_58 : memref<128x64xf32, #tpu.memory_space<hbm>>)
    }
    %scan3A_7 = arith.constant 8 : i32
    return
  }
}

module attributes {stable_mosaic.version = 14 : i64} {
  func.func @_tc_body(%arg0: i32, %arg1: memref<256x13xf32, #tpu.memory_space<vmem>>, %arg2: memref<4096x128xf32, #tpu.memory_space<vmem>>, %arg3: memref<13x512xf32, #tpu.memory_space<vmem>>, %arg4: memref<512x256xf32, #tpu.memory_space<vmem>>, %arg5: memref<256x64xf32, #tpu.memory_space<vmem>>, %arg6: memref<64x64xf32, #tpu.memory_space<vmem>>, %arg7: memref<64x512xf32, #tpu.memory_space<vmem>>, %arg8: memref<768x512xf32, #tpu.memory_space<vmem>>, %arg9: memref<512x256xf32, #tpu.memory_space<vmem>>, %arg10: memref<256x1xf32, #tpu.memory_space<vmem>>, %arg11: memref<256x1xf32, #tpu.memory_space<vmem>>) attributes {dimension_semantics = [#tpu.dimension_semantics<arbitrary>], iteration_bounds = array<i64: 8>, scalar_prefetch = 0 : i64, scratch_operands = 0 : i64, tpu.core_type = #tpu.core_type<tc>, window_params = [{transform_indices = @transform_0, window_bounds = array<i64: 256, 13>}, {transform_indices = @transform_1, window_bounds = array<i64: 4096, 128>}, {pipeline_mode = #tpu.pipeline_mode<synchronous>, transform_indices = @transform_2, window_bounds = array<i64: 13, 512>}, {pipeline_mode = #tpu.pipeline_mode<synchronous>, transform_indices = @transform_3, window_bounds = array<i64: 512, 256>}, {pipeline_mode = #tpu.pipeline_mode<synchronous>, transform_indices = @transform_4, window_bounds = array<i64: 256, 64>}, {pipeline_mode = #tpu.pipeline_mode<synchronous>, transform_indices = @transform_5, window_bounds = array<i64: 64, 64>}, {pipeline_mode = #tpu.pipeline_mode<synchronous>, transform_indices = @transform_6, window_bounds = array<i64: 64, 512>}, {pipeline_mode = #tpu.pipeline_mode<synchronous>, transform_indices = @transform_7, window_bounds = array<i64: 768, 512>}, {pipeline_mode = #tpu.pipeline_mode<synchronous>, transform_indices = @transform_8, window_bounds = array<i64: 512, 256>}, {pipeline_mode = #tpu.pipeline_mode<synchronous>, transform_indices = @transform_9, window_bounds = array<i64: 256, 1>}, {transform_indices = @transform_10, window_bounds = array<i64: 256, 1>}]} {
    %get3A = arith.constant 0 : index
    %get3A_0 = arith.constant 0 : index
    %get3A_1 = vector.load %arg1[%get3A, %get3A_0] : memref<256x13xf32, #tpu.memory_space<vmem>>, vector<256x13xf32>
    %get3A_2 = arith.constant 0 : index
    %get3A_3 = arith.constant 0 : index
    %get3A_4 = vector.load %arg3[%get3A_2, %get3A_3] : memref<13x512xf32, #tpu.memory_space<vmem>>, vector<13x512xf32>
    %dot_general3A = arith.constant dense<0.000000e+00> : vector<256x512xf32>
    %dot_general3A_5 = tpu.matmul %get3A_1, %get3A_4, %dot_general3A {dimension_numbers = #tpu.dot_dimension_numbers<[1], [0], [0], [1], [0, 0, 1, 1], [], []>, transpose_lhs_hint = false} : vector<256x13xf32>, vector<13x512xf32>, vector<256x512xf32> -> vector<256x512xf32>
    %max3A = arith.constant 0.000000e+00 : f32
    %max3A_6 = vector.broadcast %max3A : f32 to vector<256x512xf32>
    %max3A_7 = arith.maximumf %dot_general3A_5, %max3A_6 : vector<256x512xf32>
    %get3A_8 = arith.constant 0 : index
    %get3A_9 = arith.constant 0 : index
    %get3A_10 = vector.load %arg4[%get3A_8, %get3A_9] : memref<512x256xf32, #tpu.memory_space<vmem>>, vector<512x256xf32>
    %dot_general3A_11 = arith.constant dense<0.000000e+00> : vector<256x256xf32>
    %dot_general3A_12 = tpu.matmul %max3A_7, %get3A_10, %dot_general3A_11 {dimension_numbers = #tpu.dot_dimension_numbers<[1], [0], [0], [1], [0, 0, 1, 1], [], []>, transpose_lhs_hint = false} : vector<256x512xf32>, vector<512x256xf32>, vector<256x256xf32> -> vector<256x256xf32>
    %max3A_13 = arith.constant 0.000000e+00 : f32
    %max3A_14 = vector.broadcast %max3A_13 : f32 to vector<256x256xf32>
    %max3A_15 = arith.maximumf %dot_general3A_12, %max3A_14 : vector<256x256xf32>
    %get3A_16 = arith.constant 0 : index
    %get3A_17 = arith.constant 0 : index
    %get3A_18 = vector.load %arg5[%get3A_16, %get3A_17] : memref<256x64xf32, #tpu.memory_space<vmem>>, vector<256x64xf32>
    %dot_general3A_19 = arith.constant dense<0.000000e+00> : vector<256x64xf32>
    %dot_general3A_20 = tpu.matmul %max3A_15, %get3A_18, %dot_general3A_19 {dimension_numbers = #tpu.dot_dimension_numbers<[1], [0], [0], [1], [0, 0, 1, 1], [], []>, transpose_lhs_hint = false} : vector<256x256xf32>, vector<256x64xf32>, vector<256x64xf32> -> vector<256x64xf32>
    %max3A_21 = arith.constant 0.000000e+00 : f32
    %max3A_22 = vector.broadcast %max3A_21 : f32 to vector<256x64xf32>
    %max3A_23 = arith.maximumf %dot_general3A_20, %max3A_22 : vector<256x64xf32>
    %get3A_24 = arith.constant 0 : index
    %get3A_25 = arith.constant 0 : index
    %get3A_26 = vector.load %arg6[%get3A_24, %get3A_25] : memref<64x64xf32, #tpu.memory_space<vmem>>, vector<64x64xf32>
    %dot_general3A_27 = arith.constant dense<0.000000e+00> : vector<256x64xf32>
    %dot_general3A_28 = tpu.matmul %max3A_23, %get3A_26, %dot_general3A_27 {dimension_numbers = #tpu.dot_dimension_numbers<[1], [0], [0], [1], [0, 0, 1, 1], [], []>, transpose_lhs_hint = false} : vector<256x64xf32>, vector<64x64xf32>, vector<256x64xf32> -> vector<256x64xf32>
    %get3A_29 = arith.constant 0 : index
    %get3A_30 = arith.constant 0 : index
    %get3A_31 = vector.load %arg2[%get3A_29, %get3A_30] : memref<4096x128xf32, #tpu.memory_space<vmem>>, vector<4096x128xf32>
    %reshape3A = vector.shape_cast %get3A_31 : vector<4096x128xf32> to vector<256x16x128xf32>
    %slice3A = vector.extract_strided_slice %reshape3A {offsets = [0, 0, 0], sizes = [256, 16, 64], strides = [1, 1, 1]} : vector<256x16x128xf32> to vector<256x16x64xf32>
    %slice3A_32 = vector.extract_strided_slice %reshape3A {offsets = [0, 0, 64], sizes = [256, 16, 64], strides = [1, 1, 1]} : vector<256x16x128xf32> to vector<256x16x64xf32>
    %iota3A = tpu.iota {dimensions = array<i32: 1>} : vector<256x16x64xi32>
    %broadcast_in_dim3A = vector.shape_cast %dot_general3A_28 : vector<256x64xf32> to vector<256x1x64xf32>
    %broadcast_in_dim3A_33 = vector.broadcast %broadcast_in_dim3A : vector<256x1x64xf32> to vector<256x16x64xf32>
    %eq3A = arith.constant 13 : i32
    %eq3A_34 = vector.broadcast %eq3A : i32 to vector<256x16x64xi32>
    %eq3A_35 = arith.cmpi eq, %iota3A, %eq3A_34 : vector<256x16x64xi32>
    %select_n3A = arith.select %eq3A_35, %broadcast_in_dim3A_33, %slice3A : vector<256x16x64xi1>, vector<256x16x64xf32>
    %dot_general3A_36 = arith.constant dense<0.000000e+00> : vector<256x16x16xf32>
    %dot_general3A_37 = tpu.matmul %select_n3A, %select_n3A, %dot_general3A_36 {dimension_numbers = #tpu.dot_dimension_numbers<[2], [2], [1], [1], [0, 0, 0, 1, 1, 1], [0], [0]>, transpose_lhs_hint = false} : vector<256x16x64xf32>, vector<256x16x64xf32>, vector<256x16x16xf32> -> vector<256x16x16xf32>
    %reshape3A_38 = vector.shape_cast %dot_general3A_37 : vector<256x16x16xf32> to vector<256x256xf32>
    %dot_general3A_39 = arith.constant dense<0.000000e+00> : vector<256x16x16xf32>
    %dot_general3A_40 = tpu.matmul %select_n3A, %slice3A_32, %dot_general3A_39 {dimension_numbers = #tpu.dot_dimension_numbers<[2], [2], [1], [1], [0, 0, 0, 1, 1, 1], [0], [0]>, transpose_lhs_hint = false} : vector<256x16x64xf32>, vector<256x16x64xf32>, vector<256x16x16xf32> -> vector<256x16x16xf32>
    %reshape3A_41 = vector.shape_cast %dot_general3A_40 : vector<256x16x16xf32> to vector<256x256xf32>
    %dot_general3A_42 = arith.constant dense<0.000000e+00> : vector<256x16x16xf32>
    %dot_general3A_43 = tpu.matmul %slice3A_32, %slice3A_32, %dot_general3A_42 {dimension_numbers = #tpu.dot_dimension_numbers<[2], [2], [1], [1], [0, 0, 0, 1, 1, 1], [0], [0]>, transpose_lhs_hint = false} : vector<256x16x64xf32>, vector<256x16x64xf32>, vector<256x16x16xf32> -> vector<256x16x16xf32>
    %reshape3A_44 = vector.shape_cast %dot_general3A_43 : vector<256x16x16xf32> to vector<256x256xf32>
    %concatenate3A = tpu.concatenate %reshape3A_38, %reshape3A_41, %reshape3A_44 in 1 : vector<256x256xf32>, vector<256x256xf32>, vector<256x256xf32> -> vector<256x768xf32>
    %get3A_45 = arith.constant 0 : index
    %get3A_46 = arith.constant 0 : index
    %get3A_47 = vector.load %arg7[%get3A_45, %get3A_46] : memref<64x512xf32, #tpu.memory_space<vmem>>, vector<64x512xf32>
    %dot_general3A_48 = arith.constant dense<0.000000e+00> : vector<256x512xf32>
    %dot_general3A_49 = tpu.matmul %dot_general3A_28, %get3A_47, %dot_general3A_48 {dimension_numbers = #tpu.dot_dimension_numbers<[1], [0], [0], [1], [0, 0, 1, 1], [], []>, transpose_lhs_hint = false} : vector<256x64xf32>, vector<64x512xf32>, vector<256x512xf32> -> vector<256x512xf32>
    %get3A_50 = arith.constant 0 : index
    %get3A_51 = arith.constant 0 : index
    %get3A_52 = vector.load %arg8[%get3A_50, %get3A_51] : memref<768x512xf32, #tpu.memory_space<vmem>>, vector<768x512xf32>
    %dot_general3A_53 = arith.constant dense<0.000000e+00> : vector<256x512xf32>
    %dot_general3A_54 = tpu.matmul %concatenate3A, %get3A_52, %dot_general3A_53 {dimension_numbers = #tpu.dot_dimension_numbers<[1], [0], [0], [1], [0, 0, 1, 1], [], []>, transpose_lhs_hint = false} : vector<256x768xf32>, vector<768x512xf32>, vector<256x512xf32> -> vector<256x512xf32>
    %add3A = arith.addf %dot_general3A_49, %dot_general3A_54 : vector<256x512xf32>
    %max3A_55 = arith.constant 0.000000e+00 : f32
    %max3A_56 = vector.broadcast %max3A_55 : f32 to vector<256x512xf32>
    %max3A_57 = arith.maximumf %add3A, %max3A_56 : vector<256x512xf32>
    %get3A_58 = arith.constant 0 : index
    %get3A_59 = arith.constant 0 : index
    %get3A_60 = vector.load %arg9[%get3A_58, %get3A_59] : memref<512x256xf32, #tpu.memory_space<vmem>>, vector<512x256xf32>
    %dot_general3A_61 = arith.constant dense<0.000000e+00> : vector<256x256xf32>
    %dot_general3A_62 = tpu.matmul %max3A_57, %get3A_60, %dot_general3A_61 {dimension_numbers = #tpu.dot_dimension_numbers<[1], [0], [0], [1], [0, 0, 1, 1], [], []>, transpose_lhs_hint = false} : vector<256x512xf32>, vector<512x256xf32>, vector<256x256xf32> -> vector<256x256xf32>
    %max3A_63 = arith.constant 0.000000e+00 : f32
    %max3A_64 = vector.broadcast %max3A_63 : f32 to vector<256x256xf32>
    %max3A_65 = arith.maximumf %dot_general3A_62, %max3A_64 : vector<256x256xf32>
    %get3A_66 = arith.constant 0 : index
    %get3A_67 = arith.constant 0 : index
    %get3A_68 = vector.load %arg10[%get3A_66, %get3A_67] : memref<256x1xf32, #tpu.memory_space<vmem>>, vector<256x1xf32>
    %dot_general3A_69 = arith.constant dense<0.000000e+00> : vector<256x1xf32>
    %dot_general3A_70 = tpu.matmul %max3A_65, %get3A_68, %dot_general3A_69 {dimension_numbers = #tpu.dot_dimension_numbers<[1], [0], [0], [1], [0, 0, 1, 1], [], []>, transpose_lhs_hint = false} : vector<256x256xf32>, vector<256x1xf32>, vector<256x1xf32> -> vector<256x1xf32>
    %logistic3A = arith.negf %dot_general3A_70 : vector<256x1xf32>
    %logistic3A_71 = math.exp %logistic3A : vector<256x1xf32>
    %logistic3A_72 = arith.constant 1.000000e+00 : f32
    %logistic3A_73 = vector.broadcast %logistic3A_72 : f32 to vector<256x1xf32>
    %logistic3A_74 = arith.addf %logistic3A_73, %logistic3A_71 : vector<256x1xf32>
    %logistic3A_75 = arith.divf %logistic3A_73, %logistic3A_74 : vector<256x1xf32>
    %swap3A = arith.constant 0 : index
    %swap3A_76 = arith.constant 0 : index
    %swap3A_77 = vector.load %arg11[%swap3A, %swap3A_76] : memref<256x1xf32, #tpu.memory_space<vmem>>, vector<256x1xf32>
    tpu.vector_store %arg11[%swap3A, %swap3A_76], %logistic3A_75 {strides = array<i32>} : memref<256x1xf32, #tpu.memory_space<vmem>>, vector<256x1xf32>,
    return
  }
  func.func @transform_0(%arg0: i32) -> (i32, i32) {
    %c0_i32 = arith.constant 0 : i32
    %c0_i32_0 = arith.constant 0 : i32
    return %arg0, %c0_i32 : i32, i32
  }
  func.func @transform_1(%arg0: i32) -> (i32, i32) {
    %c0_i32 = arith.constant 0 : i32
    %c0_i32_0 = arith.constant 0 : i32
    return %arg0, %c0_i32 : i32, i32
  }
  func.func @transform_2(%arg0: i32) -> (i32, i32) {
    %c0_i32 = arith.constant 0 : i32
    %c0_i32_0 = arith.constant 0 : i32
    %c0_i32_1 = arith.constant 0 : i32
    return %c0_i32, %c0_i32_0 : i32, i32
  }
  func.func @transform_3(%arg0: i32) -> (i32, i32) {
    %c0_i32 = arith.constant 0 : i32
    %c0_i32_0 = arith.constant 0 : i32
    %c0_i32_1 = arith.constant 0 : i32
    return %c0_i32, %c0_i32_0 : i32, i32
  }
  func.func @transform_4(%arg0: i32) -> (i32, i32) {
    %c0_i32 = arith.constant 0 : i32
    %c0_i32_0 = arith.constant 0 : i32
    %c0_i32_1 = arith.constant 0 : i32
    return %c0_i32, %c0_i32_0 : i32, i32
  }
  func.func @transform_5(%arg0: i32) -> (i32, i32) {
    %c0_i32 = arith.constant 0 : i32
    %c0_i32_0 = arith.constant 0 : i32
    %c0_i32_1 = arith.constant 0 : i32
    return %c0_i32, %c0_i32_0 : i32, i32
  }
  func.func @transform_6(%arg0: i32) -> (i32, i32) {
    %c0_i32 = arith.constant 0 : i32
    %c0_i32_0 = arith.constant 0 : i32
    %c0_i32_1 = arith.constant 0 : i32
    return %c0_i32, %c0_i32_0 : i32, i32
  }
  func.func @transform_7(%arg0: i32) -> (i32, i32) {
    %c0_i32 = arith.constant 0 : i32
    %c0_i32_0 = arith.constant 0 : i32
    %c0_i32_1 = arith.constant 0 : i32
    return %c0_i32, %c0_i32_0 : i32, i32
  }
  func.func @transform_8(%arg0: i32) -> (i32, i32) {
    %c0_i32 = arith.constant 0 : i32
    %c0_i32_0 = arith.constant 0 : i32
    %c0_i32_1 = arith.constant 0 : i32
    return %c0_i32, %c0_i32_0 : i32, i32
  }
  func.func @transform_9(%arg0: i32) -> (i32, i32) {
    %c0_i32 = arith.constant 0 : i32
    %c0_i32_0 = arith.constant 0 : i32
    %c0_i32_1 = arith.constant 0 : i32
    return %c0_i32, %c0_i32_0 : i32, i32
  }
  func.func @transform_10(%arg0: i32) -> (i32, i32) {
    %c0_i32 = arith.constant 0 : i32
    %c0_i32_0 = arith.constant 0 : i32
    return %arg0, %c0_i32 : i32, i32
  }
}

</mosaic_0001>

<sc_bundles>
// kernel: kernel.6.cloned.1.call-start
scs
__scs_entry_jumppad:
0x0: {  	(pc) =	sbr.rel $0x88, $3  }
0x1: {  	(tag) =	ssettag $0x0;
	lr =	simm.s32 $0x1  }
0x2: {  	[smem:$0x3F97] =	sst lr;
	_ =	strace $0xD0000000  }
0x3: {  	_ = 	snop  }
0x4: {  	_ = 	snop  }
0x5: {  	_ = 	snop  }
0x6: {  	_ = 	snop  }
0x7: {  	_ = 	snop  }
__scs_overlays_trampoline_lowered:
0x8: {  	[smem:$0x3FA6] =	sst s0  }
0x9: {  	[smem:$0x3FA7] =	sst s1  }
0xa: {  	[smem:$0x3FA8] =	sst s2  }
0xb: {  	[smem:$0x3FA9] =	sst s3  }
0xc: {  	[smem:$0x3FAA] =	sst s4  }
0xd: {  	[smem:$0x3FAB] =	sst s5  }
0xe: {  	[smem:$0x3FAC] =	sst s6  }
0xf: {  	[smem:$0x3FAD] =	sst s7  }
0x10: {  	[smem:$0x3FAE] =	sst s8  }
0x11: {  	[smem:$0x3FAF] =	sst s9;
	s0 =	simm.s32 @!p0 $0x0  }
0x12: {  	s1 =	sld [smem:$0x3F95];
	s0 =	simm.s32 @p0 $0x1  }
0x13: {  	[smem:$0x3FB0] =	sst s0;
	s0 =	simm.s32 @!p1 $0x0  }
0x14: {  	s2 =	sld [smem:$0x3F94];
	s0 =	simm.s32 @p1 $0x1  }
0x15: {  	[smem:$0x3FB1] =	sst s0;
	s0 =	simm.s32 @!p2 $0x0  }
0x16: {  	s3 =	sld [smem:$0x3FDB];
	s0 =	simm.s32 @p2 $0x1  }
0x17: {  	s4 =	simm.s32 $0x1BF5;
	[smem:$0x3FB3] =	sst s0  }
0x18: {  	s0 =	sld [smem:$0x3F96];
	_ =	swait.ge [sflag:s4], $0x0  }
0x19: {  	s7 =	sld [smem:$0x3F97]  }
0x1a: {  	s8 =	sadd.s32 $0xFFFFE003, lr  }
0x1b: {  	s9 =	sadd.s32 $0xFFFFFEF7, lr;
	s5 =	simm.s32 $0xFFFFFFFF;
	p2 =	slt.u32 s8, $0xFFFFF086  }
0x1c: {  	p1 =	slt.u32 s9, $0xF7A;
	s5 =	simm.s32 @!p2 $0x0  }
0x1d: {  	s5 =	simm.s32 @p1 $0x1;
	p0 =	seq.s32 s7, s2  }
0x1e: {  	s7 =	smul.u32 @!p0 $0xF7A, s2;
	p2 =	seq.s32 @!p0 s5, $0x0  }
0x1f: {  	s9 =	smul.u32 $0xF7A, s1;
	s8 =	simm.s32 @!p0 $0x1BF5;
	p2 =	por !p2, p0  }
0x20: {  	[sflag:s8] =	ssyncset.s32 @!p0 $0xFFFFF086;
	s6 =	sadd.s32 @!p0 s3, s7;
	s7 =	simm.s32 @!p0 $0x108  }
0x21: {  	s3 =	sadd.s32 s3, s9;
	s6 =	sadd.s32 @!p0 $0x88, s6;
	s7 =	simm.s32 @p2 $0x1082  }
0x22: {  	[simem:s7], [sflag:s8] =	dma.local @!p0 [hbm:s6], $0xF7A  }
0x23: {  	s9 =	sor.u32 $0xD0000000, s2;
	s6 =	simm.s32 $0x108;
	_ =	swait.ge @!p0 [sflag:s8], $0x0  }
0x24: {  	s3 =	sadd.s32 $0x88, s3;
	s6 =	simm.s32 @!p1 $0x1082;
	[sflag:s4] =	ssyncset.s32 $0xFFFFF086  }
0x25: {  	[simem:s6], [sflag:s4] =	dma.local [hbm:s3], $0xF7A  }
0x26: {  	[smem:$0x3F97] =	sst s1;
	(tag) =	ssettag s2;
	_ =	strace s9  }
0x27: {  	s1 =	sld [smem:$0x3FA7]  }
0x28: {  	s2 =	sld [smem:$0x3FA8]  }
0x29: {  	s4 =	sld [smem:$0x3FAA]  }
0x2a: {  	p0 =	seq.s32 s5, $0x0;
	s5 =	sld [smem:$0x3FAB]  }
0x2b: {  	s6 =	sld [smem:$0x3FAC]  }
0x2c: {  	s7 =	sld [smem:$0x3FAD]  }
0x2d: {  	s3 =	simm.s32 $0x108;
	s8 =	sld [smem:$0x3FAE]  }
0x2e: {  	s3 =	simm.s32 @!p0 $0x1082;
	s9 =	sld [smem:$0x3FAF]  }
0x2f: {  	lr =	sadd.s32 s0, s3;
	s0 =	sld [smem:$0x3FA6]  }
0x30: {  	s3 =	sld [smem:$0x3FA9]  }
0x31: {  	[smem:$0x3FB2] =	sst s10  }
0x32: {  	s10 =	sld [smem:$0x3FB0];
	_ =	sdelay $0x3  }
0x33: {  	p0 =	seq.s32 s10, $0x1;
	s10 =	sld [smem:$0x3FB2];
	_ =	sdelay $0x3  }
0x34: {  	[smem:$0x3FB2] =	sst s10  }
0x35: {  	s10 =	sld [smem:$0x3FB1];
	_ =	sdelay $0x3  }
0x36: {  	p1 =	seq.s32 s10, $0x1;
	s10 =	sld [smem:$0x3FB2];
	_ =	sdelay $0x3  }
0x37: {  	[smem:$0x3FB2] =	sst s10  }
0x38: {  	s10 =	sld [smem:$0x3FB3]  }
0x39: {  	_ = 	snop;
	(pc) =	sbr.ind lr, $3  }
0x3a: {  	_ = 	snop  }
0x3b: {  	_ = 	snop  }
0x3c: {  	p2 =	seq.s32 s10, $0x1;
	s10 =	sld [smem:$0x3FB2]  }
0x3d: {  	_ =	shalt  }
0x3e: {  	_ =	shalt  }
0x3f: {  	_ =	shalt  }
0x40: {  	_ =	shalt  }
0x41: {  	_ =	shalt  }
0x42: {  	_ =	shalt  }
0x43: {  	_ =	shalt  }
0x44: {  	_ =	shalt  }
0x45: {  	_ =	shalt  }
0x46: {  	_ =	shalt  }
0x47: {  	_ =	shalt  }
0x48: {  	_ =	shalt  }
0x49: {  	_ =	shalt  }
0x4a: {  	_ =	shalt  }
0x4b: {  	_ =	shalt  }
0x4c: {  	_ =	shalt  }
0x4d: {  	_ =	shalt  }
0x4e: {  	_ =	shalt  }
0x4f: {  	_ =	shalt  }
0x50: {  	_ =	shalt  }
0x51: {  	_ =	shalt  }
0x52: {  	_ =	shalt  }
0x53: {  	_ =	shalt  }
0x54: {  	_ =	shalt  }
0x55: {  	_ =	shalt  }
0x56: {  	_ =	shalt  }
0x57: {  	_ =	shalt  }
0x58: {  	_ =	shalt  }
0x59: {  	_ =	shalt  }
0x5a: {  	_ =	shalt  }
0x5b: {  	_ =	shalt  }
0x5c: {  	_ =	shalt  }
0x5d: {  	_ =	shalt  }
0x5e: {  	_ =	shalt  }
0x5f: {  	_ =	shalt  }
0x60: {  	_ =	shalt  }
0x61: {  	_ =	shalt  }
0x62: {  	_ =	shalt  }
0x63: {  	_ =	shalt  }
0x64: {  	_ =	shalt  }
0x65: {  	_ =	shalt  }
0x66: {  	_ =	shalt  }
0x67: {  	_ =	shalt  }
0x68: {  	_ =	shalt  }
0x69: {  	_ =	shalt  }
0x6a: {  	_ =	shalt  }
0x6b: {  	_ =	shalt  }
0x6c: {  	_ =	shalt  }
0x6d: {  	_ =	shalt  }
0x6e: {  	_ =	shalt  }
0x6f: {  	_ =	shalt  }
0x70: {  	_ =	shalt  }
0x71: {  	_ =	shalt  }
0x72: {  	_ =	shalt  }
0x73: {  	_ =	shalt  }
0x74: {  	_ =	shalt  }
0x75: {  	_ =	shalt  }
0x76: {  	_ =	shalt  }
0x77: {  	_ =	shalt  }
0x78: {  	_ =	shalt  }
0x79: {  	_ =	shalt  }
0x7a: {  	_ =	shalt  }
0x7b: {  	_ =	shalt  }
0x7c: {  	_ =	shalt  }
0x7d: {  	_ =	shalt  }
0x7e: {  	_ =	shalt  }
0x7f: {  	_ =	shalt  }
0x80: {  	_ =	shalt  }
0x81: {  	_ =	shalt  }
0x82: {  	_ =	shalt  }
0x83: {  	_ =	shalt  }
0x84: {  	_ =	shalt  }
0x85: {  	_ =	shalt  }
0x86: {  	_ =	shalt  }
0x87: {  	_ =	shalt  }
.Lfunc_end0:
.L_simem_size_0:
called_computation_lowered:
.L_overlay_start_0:
0x88: {  	s2 =	sld [smem:$0x3FD9]  }
0x89: {  	s3 =	sld [smem:$0x3FFE];
	_ =	sdelay $0x1  }
0x8a: {  	s1 =	srdreg.scid  }
0x8b: {  	s0 =	sand.u32 $0x1, s1  }
0x8c: {  	s17 =	sshll.u32 s0, $0xA;
	s2 =	sadd.s32 s3, s2  }
0x8d: {  	s2 =	sadd.s32 s2, s17  }
0x8e: {  	[smem:$0x3FBE] =	sst s2  }
0x8f: {  	_ = 	snop  }
0x90: {  	(tm) =	ssettm $0x1  }
0x91: {  	s18 =	sld [smem:$0x3FFB];
	_ =	sdelay $0x3  }
0x92: {  	_ =	strace s18  }
0x93: {  	s2 =	sld [smem:$0x3FFC];
	_ =	sdelay $0x3  }
0x94: {  	_ =	strace s2  }
0x95: {  	s2 =	sld [smem:$0x3FFD];
	_ =	sdelay $0x3  }
0x96: {  	_ =	strace s2  }
0x97: {  	_ =	strace $0x8FFFFFFF  }
0x98: {  	s19 =	sld [smem:$0x3FDB];
	_ =	sdelay $0x1  }
0x99: {  	s20 =	simm.s32 $_scs_section_size  }
0x9a: {  	s4 =	simm.s32 $_size__tile_overlayer_lowered;
	s5 =	simm.s32 $_tile_overlayer_lowered  }
0x9b: {  	s6 =	simm.s32 $0x1BFF;
	s21 =	sshll.u32 s5, $0x1;
	s3 =	sadd.s32 s20, s19  }
0x9c: {  	s22 =	simm.s32 $0x0;
	s4 =	sshll.u32 s4, $0x1;
	s5 =	sadd.s32 s21, s3  }
0x9d: {  	[timem:s22], [sflag:s6] =	dma.local [hbm:s5], s4  }
0x9e: {  	_ =	swait.ge [sflag:s6], s4  }
0x9f: {  	s4 =	ssub.s32 $0x0, s4;
	[sflag:s6] =	ssyncset.done $0x0  }
0xa0: {  	[sflag:s6] =	ssyncadd.s32 s4;
	_ =	sdelay $0x1  }
0xa1: {  	s23 =	simm.s32 $0x1B8B  }
0xa2: {  	_ =	swait.ge [sflag:s23], $0x1  }
0xa3: {  	[sflag:s23] =	ssyncset.done $0x0  }
0xa4: {  	[sflag:s23] =	ssyncadd.s32 $0xFFFFFFFF  }
0xa5: {  	s4 =	sld [smem:$0x0]  }
0xa6: {  	s5 =	sand.u32 $0xFFFFFFFE, s1  }
0xa7: {  	p0 =	sne.s32 s1, s5  }
0xa8: {  	s5 =	sshll.u32 @p0 s5, $0xE  }
0xa9: {  	s5 =	sadd.s32 @p0 $0x11B8D, s5;
	s6 =	sshll.u32 @p0 s4, $0x11  }
0xaa: {  	s5 =	sor.u32 @p0 s6, s5  }
0xab: {  	[sflag:s5] =	ssyncadd.remote.s32 @p0 $0x1;
	_ =	sdelay $0x1  }
0xac: {  	s5 =	simm.s32 @p0 $0x1B8D  }
0xad: {  	_ =	swait.eq @p0 [sflag:s5], $0x1  }
0xae: {  	[sflag:s5] =	ssyncadd.s32 @p0 $0xFFFFFFFF  }
0xaf: {  	s6 =	sshll.u32 @!p0 s1, $0xE  }
0xb0: {  	s6 =	sor.u32 @!p0 $0x4000, s6;
	s5 =	simm.s32 @!p0 $0x1B8D  }
0xb1: {  	s4 =	sshll.u32 @!p0 s4, $0x11;
	s6 =	sadd.s32 @!p0 $0x11B8D, s6;
	_ =	swait.eq @!p0 [sflag:s5], $0x1  }
0xb2: {  	s4 =	sor.u32 @!p0 s4, s6;
	[sflag:s5] =	ssyncadd.s32 @!p0 $0xFFFFFFFF  }
0xb3: {  	s25 =	simm.s32 $0x1B8E;
	s24 =	sld [smem:$0x3FFE];
	[sflag:s4] =	ssyncadd.remote.s32 @!p0 $0x1  }
0xb4: {  	s26 =	simm.s32 $execute0_lowered;
	[smem:$0x3FD2] =	sst s25  }
0xb5: {  	s5 =	sshll.u32 s26, $0x1;
	_ =	strace $0x80000049;
	[dreg:$0x1] =	wrdreg $0xFFFFFFFF  }
0xb6: {  	s28 =	simm.s32 $_size_execute0_lowered;
	s3 =	sadd.s32 s3, s5;
	[dreg:$0x0] =	wrdreg $0x0  }
0xb7: {  	s5 =	sshll.u32 s28, $0x1;
	[dreg:$0x2] =	wrdreg s3  }
0xb8: {  	[dreg:$0x3] =	wrdreg s5  }
0xb9: {  	[dreg:$0x4] =	wrdreg $0xC0  }
0xba: {  	_ =	task [dreg:s22], $0x5FFFF  }
0xbb: {  	[dreg:$0x1] =	wrdreg $0xFFFFFFFF  }
0xbc: {  	[dreg:$0x0] =	wrdreg $0x60  }
0xbd: {  	[dreg:$0x2] =	wrdreg s24  }
0xbe: {  	[dreg:$0x3] =	wrdreg $0x9  }
0xbf: {  	_ =	task.clear_ibuf [dreg:s22], $0x4FFFF;
	_ =	strace $0x90000049  }
0xc0: {  	s29 =	simm.s32 $0x9;
	_ =	strace $0x8000004B  }
0xc1: {  	_ =	swait.ge [sflag:s29], $0x1  }
0xc2: {  	[sflag:s29] =	ssyncadd.s32 $0xFFFFFFFF  }
0xc3: {  	_ =	strace $0x9000004B  }
0xc4: {  	_ =	sfence  }
0xc5: {  	s30 =	sld [smem:$0x0];
	_ =	sdelay $0x2  }
0xc6: {  	s31 =	sshll.u32 s1, $0xD;
	s1 =	sshrl.u32 s1, $0x2  }
0xc7: {  	s4 =	sand.u32 $0x4000, s31;
	s1 =	sadd.s32 s1, s30  }
0xc8: {  	s0 =	sor.u32 s4, s0;
	s1 =	sshll.u32 s1, $0x11  }
0xc9: {  	s0 =	sor.u32 s1, s0  }
0xca: {  	s0 =	sadd.s32 $0x8F2B, s0  }
0xcb: {  	[sflag:s0] =	ssyncadd.remote.s32 $0x1  }
0xcc: {  	_ =	sfence.sel $0xFFFF  }
0xcd: {  	[dreg:$0x0] =	wrdreg $0xFFFFFFFF;
	(pc) =	sbr.abs _section_cstart, $3  }
0xce: {  	[dreg:$0x1] =	wrdreg $0xFFFFFFFF  }
0xcf: {  	_ =	task.clear_ibuf [dreg:s22], $0x2FFFF;
	_ =	strace $0x9FFFFFFF  }
0xd0: {  	(tm) =	ssettm $0x7FFFFFFF  }
0xd1: {  	_ =	shalt  }
tec
execute0_lowered:
.L_overlay_start_1:
0x0: {  	(tag) =	ssettag $0x1  }
0x1: {  	s3 =	rddreg [dreg:$0x0]  }
0x2: {  	s2 =	srdreg.scid;
	s0 =	rddreg [dreg:$0x1]  }
0x3: {  	s1 =	stileid.u32;
	s9 =	simm.s32 $0x800;
	s10 =	simm.s32 $0x2800  }
0x4: {  	s11 =	simm.s32 $0x1;
	s12 =	simm.s32 $0x2;
	s13 =	simm.s32 $0x3  }
0x5: {  	s14 =	simm.s32 $0x4;
	s15 =	simm.s32 $0x0;
	s4 =	sand.u32 $0x1, s2  }
0x6: {  	s2 =	simm.s32 $0x0;
	s5 =	sshll.u32 s1, $0xC;
	s31 =	sshll.u32 s1, $0xF  }
0x7: {  	s6 =	sshll.u32 s4, $0xB;
	[smem:$0x7FF] =	sst s2;
	s7 =	ssub.s32 $0x2, s4  }
0x8: {  	s4 =	sshll.u32 s4, $0xE;
	s5 =	sor.u32 s6, s5;
	_ =	strace $0x8000004A  }
0x9: {  	s6 =	sadd.s32 s31, s3;
	s8 =	sshrl.u32 s7, $0x1;
	s5 =	sshrl.u32 s5, $0x3  }
0xa: {  	s7 =	ssub.s32 s7, s8;
	s6 =	sadd.s32 s4, s6;
	s8 =	simm.s32 $0x80  }
0xb: {  	s5 =	sadd.s32 s5, s3;
	s3 =	sadd.s32 $0x2400, s3;
	s6 =	sadd.s32 $0x8FC00, s6  }
0xc: {  	s4 =	sadd.s32 $0x8DC00, s5;
	s5 =	smax.u32 s7, $0x1;
	s7 =	simm.s32 $0x5  }
.LBB2_1:
0xd: {  	[tilespmem:s2], [sflag:$0x5] =	stream.linear.gather [hbm4b:s4+s2], $0x800, $0x38;
	[tilespmem:$0x4800] =	vst v63  }
0xe: {  	_ =	swait.ge [sflag:s7], $0x800  }
0xf: {  	[sflag:s7] =	ssyncset.done $0x0  }
0x10: {  	s16 =	simm.s32 $0x0;
	[sflag:s7] =	ssyncadd.s32 $0xFFFFF800  }
0x11: {  	[tilespmem:s9], [sflag:$0x1] =	stream.indirect.gather [hbm4b:s3+s8], $0x40, s16, s8, $0xb8;
	[tilespmem:$0x4800] =	vst v63  }
0x12: {  	s30 =	simm.s32 $0x80  }
0x13: {  	[tilespmem:s10], [sflag:$0x2] =	stream.indirect.gather [hbm4b:s3+s8], $0x40, s30, s8, $0xb8;
	[tilespmem:$0x4800] =	vst v63  }
0x14: {  	_ =	swait.ge [sflag:s11], $0x2000  }
0x15: {  	[sflag:s11] =	ssyncset.done $0x0  }
0x16: {  	[sflag:s11] =	ssyncadd.s32 $0xFFFFE000  }
0x17: {  	[hbm4b:s6+s2] =	stream.linear.scatter [tilespmem:s9], [sflag:$0x3], $0x2000, $0x38;
	[tilespmem:$0x4800] =	vst v63  }
0x18: {  	_ =	swait.ge [sflag:s12], $0x2000  }
0x19: {  	[sflag:s12] =	ssyncset.done $0x0  }
0x1a: {  	s31 =	sadd.s32 $0x400, s6;
	[sflag:s12] =	ssyncadd.s32 $0xFFFFE000  }
0x1b: {  	[hbm4b:s31+s2] =	stream.linear.scatter [tilespmem:s10], [sflag:$0x4], $0x2000, $0x38;
	[tilespmem:$0x4800] =	vst v63  }
0x1c: {  	_ =	swait.ge [sflag:s13], $0x2000  }
0x1d: {  	[sflag:s13] =	ssyncset.done $0x0  }
0x1e: {  	[sflag:s13] =	ssyncadd.s32 $0xFFFFE000  }
0x1f: {  	s17 =	simm.s32 $0x400;
	_ =	swait.ge [sflag:s14], $0x2000  }
0x20: {  	s18 =	simm.s32 $0x800;
	s16 =	sadd.s32 $0x800, s6;
	[sflag:s14] =	ssyncset.done $0x0  }
.LBB2_2:
0x21: {  	s19 =	sshra.s32 s17, $0x2  }
0x22: {  	[sflag:s14] =	ssyncadd.s32 $0xFFFFE000;
	s17 =	smov.u32 s18;
	s20 =	sadd.s32 $0x400, s18  }
0x23: {  	[tilespmem:s9], [sflag:$0x1] =	stream.indirect.gather [hbm4b:s3+s8], $0x40, s19, s8, $0xb8;
	[tilespmem:$0x4800] =	vst v63  }
0x24: {  	p0 =	sne.s32 s18, $0x1C00;
	s18 =	sadd.s32 $0x80, s19  }
0x25: {  	[tilespmem:s10], [sflag:$0x2] =	stream.indirect.gather [hbm4b:s3+s8], $0x40, s18, s8, $0xb8;
	[tilespmem:$0x4800] =	vst v63  }
0x26: {  	_ =	swait.ge [sflag:s11], $0x2000  }
0x27: {  	[sflag:s11] =	ssyncset.done $0x0  }
0x28: {  	[sflag:s11] =	ssyncadd.s32 $0xFFFFE000  }
0x29: {  	[hbm4b:s16+s2] =	stream.linear.scatter [tilespmem:s9], [sflag:$0x3], $0x2000, $0x38;
	[tilespmem:$0x4800] =	vst v63  }
0x2a: {  	_ =	swait.ge [sflag:s12], $0x2000  }
0x2b: {  	[sflag:s12] =	ssyncset.done $0x0  }
0x2c: {  	s18 =	sadd.s32 $0x400, s16;
	[sflag:s12] =	ssyncadd.s32 $0xFFFFE000  }
0x2d: {  	[hbm4b:s18+s2] =	stream.linear.scatter [tilespmem:s10], [sflag:$0x4], $0x2000, $0x38;
	[tilespmem:$0x4800] =	vst v63  }
.Ltmp0:
0x2e: {  	_ =	swait.ge [sflag:s13], $0x2000;
	(pc) =	sbr.rel @p0 .LBB2_2-.Ltmp0, $4  }
0x2f: {  	[sflag:s13] =	ssyncset.done $0x0  }
0x30: {  	[sflag:s13] =	ssyncadd.s32 $0xFFFFE000  }
0x31: {  	_ =	swait.ge [sflag:s14], $0x2000  }
0x32: {  	s16 =	sadd.s32 $0x800, s16;
	s18 =	smov.u32 s20;
	[sflag:s14] =	ssyncset.done $0x0  }
0x33: {  	s17 =	sshra.s32 s17, $0x2;
	[sflag:s14] =	ssyncadd.s32 $0xFFFFE000  }
0x34: {  	[tilespmem:s9], [sflag:$0x1] =	stream.indirect.gather [hbm4b:s3+s8], $0x40, s17, s8, $0xb8;
	[tilespmem:$0x4800] =	vst v63  }
0x35: {  	s17 =	sadd.s32 $0x80, s17  }
0x36: {  	[tilespmem:s10], [sflag:$0x2] =	stream.indirect.gather [hbm4b:s3+s8], $0x40, s17, s8, $0xb8;
	[tilespmem:$0x4800] =	vst v63  }
0x37: {  	_ =	swait.ge [sflag:s11], $0x2000  }
0x38: {  	[sflag:s11] =	ssyncset.done $0x0  }
0x39: {  	[sflag:s11] =	ssyncadd.s32 $0xFFFFE000  }
0x3a: {  	[hbm4b:s16+s2] =	stream.linear.scatter [tilespmem:s9], [sflag:$0x3], $0x2000, $0x38;
	[tilespmem:$0x4800] =	vst v63  }
0x3b: {  	_ =	swait.ge [sflag:s12], $0x2000  }
0x3c: {  	[sflag:s12] =	ssyncset.done $0x0  }
0x3d: {  	s31 =	sadd.s32 $0x400, s16;
	s15 =	sadd.s32 $0x1, s15;
	[sflag:s12] =	ssyncadd.s32 $0xFFFFE000  }
0x3e: {  	[hbm4b:s31+s2] =	stream.linear.scatter [tilespmem:s10], [sflag:$0x4], $0x2000, $0x38;
	[tilespmem:$0x4800] =	vst v63  }
0x3f: {  	p0 =	sne.s32 s15, s5;
	_ =	swait.ge [sflag:s13], $0x2000  }
.Ltmp1:
0x40: {  	[sflag:s13] =	ssyncset.done $0x0;
	(pc) =	sbr.rel @p0 .LBB2_1-.Ltmp1, $4  }
0x41: {  	[sflag:s13] =	ssyncadd.s32 $0xFFFFE000  }
0x42: {  	_ =	swait.ge [sflag:s14], $0x2000  }
0x43: {  	[sflag:s14] =	ssyncset.done $0x0  }
0x44: {  	[sflag:s14] =	ssyncadd.s32 $0xFFFFE000  }
0x45: {  	_ =	sfence.sel $0x180000  }
0x46: {  	[bflag:$0x0] =	sbarrier.arrive $0xFFFF  }
0x47: {  	p0 =	sne.s32 s1, $0x0;
	_ =	strace $0x9000004A  }
0x48: {  	s0 =	sadd.s32 @!p0 $0x100000, s0;
	[bflag:$0x2] =	sbarrier.arrive $0xFFFF  }
0x49: {  	[sflag:s0] =	ssyncadd.tile.s32 @!p0 $0x1;
	_ =	shalt  }
.Lfunc_end2:
_tile_overlayer_lowered:
.L_overlay_start_2:
0x4a: {  	(tag) =	ssettag $0x2  }
0x4b: {  	s0 =	rddreg [dreg:$0x0];
	s2 =	stileid.u32  }
0x4c: {  	s1 =	rddreg [dreg:$0x1];
	p0 =	sne.s32 s2, $0x0  }
0x4d: {  	s3 =	rddreg [dreg:$0x2];
	[bflag:$0x3] =	sbarrier.arrive $0xFFFF;
	s2 =	simm.s32 @!p0 $0x1C05  }
0x4e: {  	[timem:s3], [sflag:s2] =	dma.local @!p0 [hbm:s0], s1  }
0x4f: {  	s0 =	simm.s32 @!p0 $0x5  }
0x50: {  	_ =	swait.ge @!p0 [sflag:s0], s1  }
0x51: {  	s1 =	ssub.s32 @!p0 $0x0, s1;
	[sflag:s0] =	ssyncset.done @!p0 $0x0  }
0x52: {  	[sflag:s0] =	ssyncadd.s32 @!p0 s1  }
0x53: {  	[bflag:$0x3] =	sbarrier.arrive $0xFFFF  }
0x54: {  	_ =	shalt  }

// kernel: kernel.9.cloned.1.call-start
scs
__scs_entry_jumppad:
0x0: {  	(pc) =	sbr.rel $0x88, $3  }
0x1: {  	(tag) =	ssettag $0x0;
	lr =	simm.s32 $0x1  }
0x2: {  	[smem:$0x3F97] =	sst lr;
	_ =	strace $0xD0000000  }
0x3: {  	_ = 	snop  }
0x4: {  	_ = 	snop  }
0x5: {  	_ = 	snop  }
0x6: {  	_ = 	snop  }
0x7: {  	_ = 	snop  }
__scs_overlays_trampoline_lowered:
0x8: {  	[smem:$0x3FA6] =	sst s0  }
0x9: {  	[smem:$0x3FA7] =	sst s1  }
0xa: {  	[smem:$0x3FA8] =	sst s2  }
0xb: {  	[smem:$0x3FA9] =	sst s3  }
0xc: {  	[smem:$0x3FAA] =	sst s4  }
0xd: {  	[smem:$0x3FAB] =	sst s5  }
0xe: {  	[smem:$0x3FAC] =	sst s6  }
0xf: {  	[smem:$0x3FAD] =	sst s7  }
0x10: {  	[smem:$0x3FAE] =	sst s8  }
0x11: {  	[smem:$0x3FAF] =	sst s9;
	s0 =	simm.s32 @!p0 $0x0  }
0x12: {  	s1 =	sld [smem:$0x3F95];
	s0 =	simm.s32 @p0 $0x1  }
0x13: {  	[smem:$0x3FB0] =	sst s0;
	s0 =	simm.s32 @!p1 $0x0  }
0x14: {  	s2 =	sld [smem:$0x3F94];
	s0 =	simm.s32 @p1 $0x1  }
0x15: {  	[smem:$0x3FB1] =	sst s0;
	s0 =	simm.s32 @!p2 $0x0  }
0x16: {  	s3 =	sld [smem:$0x3FDB];
	s0 =	simm.s32 @p2 $0x1  }
0x17: {  	s4 =	simm.s32 $0x1BF5;
	[smem:$0x3FB3] =	sst s0  }
0x18: {  	s0 =	sld [smem:$0x3F96];
	_ =	swait.ge [sflag:s4], $0x0  }
0x19: {  	s7 =	sld [smem:$0x3F97]  }
0x1a: {  	s8 =	sadd.s32 $0xFFFFE003, lr  }
0x1b: {  	s9 =	sadd.s32 $0xFFFFFEF7, lr;
	s5 =	simm.s32 $0xFFFFFFFF;
	p2 =	slt.u32 s8, $0xFFFFF086  }
0x1c: {  	p1 =	slt.u32 s9, $0xF7A;
	s5 =	simm.s32 @!p2 $0x0  }
0x1d: {  	s5 =	simm.s32 @p1 $0x1;
	p0 =	seq.s32 s7, s2  }
0x1e: {  	s7 =	smul.u32 @!p0 $0xF7A, s2;
	p2 =	seq.s32 @!p0 s5, $0x0  }
0x1f: {  	s9 =	smul.u32 $0xF7A, s1;
	s8 =	simm.s32 @!p0 $0x1BF5;
	p2 =	por !p2, p0  }
0x20: {  	[sflag:s8] =	ssyncset.s32 @!p0 $0xFFFFF086;
	s6 =	sadd.s32 @!p0 s3, s7;
	s7 =	simm.s32 @!p0 $0x108  }
0x21: {  	s3 =	sadd.s32 s3, s9;
	s6 =	sadd.s32 @!p0 $0x88, s6;
	s7 =	simm.s32 @p2 $0x1082  }
0x22: {  	[simem:s7], [sflag:s8] =	dma.local @!p0 [hbm:s6], $0xF7A  }
0x23: {  	s9 =	sor.u32 $0xD0000000, s2;
	s6 =	simm.s32 $0x108;
	_ =	swait.ge @!p0 [sflag:s8], $0x0  }
0x24: {  	s3 =	sadd.s32 $0x88, s3;
	s6 =	simm.s32 @!p1 $0x1082;
	[sflag:s4] =	ssyncset.s32 $0xFFFFF086  }
0x25: {  	[simem:s6], [sflag:s4] =	dma.local [hbm:s3], $0xF7A  }
0x26: {  	[smem:$0x3F97] =	sst s1;
	(tag) =	ssettag s2;
	_ =	strace s9  }
0x27: {  	s1 =	sld [smem:$0x3FA7]  }
0x28: {  	s2 =	sld [smem:$0x3FA8]  }
0x29: {  	s4 =	sld [smem:$0x3FAA]  }
0x2a: {  	p0 =	seq.s32 s5, $0x0;
	s5 =	sld [smem:$0x3FAB]  }
0x2b: {  	s6 =	sld [smem:$0x3FAC]  }
0x2c: {  	s7 =	sld [smem:$0x3FAD]  }
0x2d: {  	s3 =	simm.s32 $0x108;
	s8 =	sld [smem:$0x3FAE]  }
0x2e: {  	s3 =	simm.s32 @!p0 $0x1082;
	s9 =	sld [smem:$0x3FAF]  }
0x2f: {  	lr =	sadd.s32 s0, s3;
	s0 =	sld [smem:$0x3FA6]  }
0x30: {  	s3 =	sld [smem:$0x3FA9]  }
0x31: {  	[smem:$0x3FB2] =	sst s10  }
0x32: {  	s10 =	sld [smem:$0x3FB0];
	_ =	sdelay $0x3  }
0x33: {  	p0 =	seq.s32 s10, $0x1;
	s10 =	sld [smem:$0x3FB2];
	_ =	sdelay $0x3  }
0x34: {  	[smem:$0x3FB2] =	sst s10  }
0x35: {  	s10 =	sld [smem:$0x3FB1];
	_ =	sdelay $0x3  }
0x36: {  	p1 =	seq.s32 s10, $0x1;
	s10 =	sld [smem:$0x3FB2];
	_ =	sdelay $0x3  }
0x37: {  	[smem:$0x3FB2] =	sst s10  }
0x38: {  	s10 =	sld [smem:$0x3FB3]  }
0x39: {  	_ = 	snop;
	(pc) =	sbr.ind lr, $3  }
0x3a: {  	_ = 	snop  }
0x3b: {  	_ = 	snop  }
0x3c: {  	p2 =	seq.s32 s10, $0x1;
	s10 =	sld [smem:$0x3FB2]  }
0x3d: {  	_ =	shalt  }
0x3e: {  	_ =	shalt  }
0x3f: {  	_ =	shalt  }
0x40: {  	_ =	shalt  }
0x41: {  	_ =	shalt  }
0x42: {  	_ =	shalt  }
0x43: {  	_ =	shalt  }
0x44: {  	_ =	shalt  }
0x45: {  	_ =	shalt  }
0x46: {  	_ =	shalt  }
0x47: {  	_ =	shalt  }
0x48: {  	_ =	shalt  }
0x49: {  	_ =	shalt  }
0x4a: {  	_ =	shalt  }
0x4b: {  	_ =	shalt  }
0x4c: {  	_ =	shalt  }
0x4d: {  	_ =	shalt  }
0x4e: {  	_ =	shalt  }
0x4f: {  	_ =	shalt  }
0x50: {  	_ =	shalt  }
0x51: {  	_ =	shalt  }
0x52: {  	_ =	shalt  }
0x53: {  	_ =	shalt  }
0x54: {  	_ =	shalt  }
0x55: {  	_ =	shalt  }
0x56: {  	_ =	shalt  }
0x57: {  	_ =	shalt  }
0x58: {  	_ =	shalt  }
0x59: {  	_ =	shalt  }
0x5a: {  	_ =	shalt  }
0x5b: {  	_ =	shalt  }
0x5c: {  	_ =	shalt  }
0x5d: {  	_ =	shalt  }
0x5e: {  	_ =	shalt  }
0x5f: {  	_ =	shalt  }
0x60: {  	_ =	shalt  }
0x61: {  	_ =	shalt  }
0x62: {  	_ =	shalt  }
0x63: {  	_ =	shalt  }
0x64: {  	_ =	shalt  }
0x65: {  	_ =	shalt  }
0x66: {  	_ =	shalt  }
0x67: {  	_ =	shalt  }
0x68: {  	_ =	shalt  }
0x69: {  	_ =	shalt  }
0x6a: {  	_ =	shalt  }
0x6b: {  	_ =	shalt  }
0x6c: {  	_ =	shalt  }
0x6d: {  	_ =	shalt  }
0x6e: {  	_ =	shalt  }
0x6f: {  	_ =	shalt  }
0x70: {  	_ =	shalt  }
0x71: {  	_ =	shalt  }
0x72: {  	_ =	shalt  }
0x73: {  	_ =	shalt  }
0x74: {  	_ =	shalt  }
0x75: {  	_ =	shalt  }
0x76: {  	_ =	shalt  }
0x77: {  	_ =	shalt  }
0x78: {  	_ =	shalt  }
0x79: {  	_ =	shalt  }
0x7a: {  	_ =	shalt  }
0x7b: {  	_ =	shalt  }
0x7c: {  	_ =	shalt  }
0x7d: {  	_ =	shalt  }
0x7e: {  	_ =	shalt  }
0x7f: {  	_ =	shalt  }
0x80: {  	_ =	shalt  }
0x81: {  	_ =	shalt  }
0x82: {  	_ =	shalt  }
0x83: {  	_ =	shalt  }
0x84: {  	_ =	shalt  }
0x85: {  	_ =	shalt  }
0x86: {  	_ =	shalt  }
0x87: {  	_ =	shalt  }
.Lfunc_end0:
.L_simem_size_0:
called_computation.1_lowered:
.L_overlay_start_0:
0x88: {  	s2 =	sld [smem:$0x3FD9]  }
0x89: {  	s3 =	sld [smem:$0x3FFE];
	_ =	sdelay $0x1  }
0x8a: {  	s1 =	srdreg.scid  }
0x8b: {  	s0 =	sand.u32 $0x1, s1  }
0x8c: {  	s16 =	sshll.u32 s0, $0xA;
	s2 =	sadd.s32 s3, s2  }
0x8d: {  	s2 =	sadd.s32 s2, s16  }
0x8e: {  	[smem:$0x3FBE] =	sst s2  }
0x8f: {  	_ = 	snop  }
0x90: {  	(tm) =	ssettm $0x1  }
0x91: {  	s17 =	sld [smem:$0x3FFB];
	_ =	sdelay $0x3  }
0x92: {  	_ =	strace s17  }
0x93: {  	s2 =	sld [smem:$0x3FFC];
	_ =	sdelay $0x3  }
0x94: {  	_ =	strace s2  }
0x95: {  	s2 =	sld [smem:$0x3FFD];
	_ =	sdelay $0x3  }
0x96: {  	_ =	strace s2  }
0x97: {  	_ =	strace $0x8FFFFFFF  }
0x98: {  	s18 =	sld [smem:$0x3FDB];
	_ =	sdelay $0x1  }
0x99: {  	s19 =	simm.s32 $_scs_section_size  }
0x9a: {  	s4 =	simm.s32 $_size__tile_overlayer_lowered;
	s5 =	simm.s32 $_tile_overlayer_lowered  }
0x9b: {  	s22 =	simm.s32 $0x1BFF;
	s21 =	sshll.u32 s5, $0x1;
	s2 =	sadd.s32 s19, s18  }
0x9c: {  	s6 =	simm.s32 $0x0;
	s20 =	sshll.u32 s4, $0x1;
	s4 =	sadd.s32 s21, s2  }
0x9d: {  	[timem:s6], [sflag:s22] =	dma.local [hbm:s4], s20  }
0x9e: {  	_ =	swait.ge [sflag:s22], s20  }
0x9f: {  	s3 =	ssub.s32 $0x0, s20;
	[sflag:s22] =	ssyncset.done $0x0  }
0xa0: {  	[sflag:s22] =	ssyncadd.s32 s3;
	_ =	sdelay $0x1  }
0xa1: {  	s23 =	simm.s32 $0x1B8B  }
0xa2: {  	_ =	swait.ge [sflag:s23], $0x1  }
0xa3: {  	[sflag:s23] =	ssyncset.done $0x0  }
0xa4: {  	s25 =	simm.s32 $0x1B8E;
	s24 =	sld [smem:$0x3FFE];
	[sflag:s23] =	ssyncadd.s32 $0xFFFFFFFF  }
0xa5: {  	s26 =	simm.s32 $execute0_lowered;
	[smem:$0x3FD2] =	sst s25  }
0xa6: {  	s4 =	sshll.u32 s26, $0x1;
	_ =	strace $0x80000046;
	[dreg:$0x1] =	wrdreg $0xFFFFFFFF  }
0xa7: {  	s28 =	simm.s32 $_size_execute0_lowered;
	s2 =	sadd.s32 s2, s4;
	[dreg:$0x0] =	wrdreg $0x0  }
0xa8: {  	s4 =	sshll.u32 s28, $0x1;
	[dreg:$0x2] =	wrdreg s2  }
0xa9: {  	[dreg:$0x3] =	wrdreg s4  }
0xaa: {  	[dreg:$0x4] =	wrdreg $0xC0  }
0xab: {  	_ =	task [dreg:s6], $0x5FFFF  }
0xac: {  	[dreg:$0x1] =	wrdreg $0xFFFFFFFF  }
0xad: {  	[dreg:$0x0] =	wrdreg $0x60  }
0xae: {  	[dreg:$0x2] =	wrdreg s24  }
0xaf: {  	[dreg:$0x3] =	wrdreg $0xA  }
0xb0: {  	_ =	task.clear_ibuf [dreg:s6], $0x4FFFF;
	_ =	strace $0x90000046  }
0xb1: {  	s29 =	simm.s32 $0xA;
	_ =	strace $0x80000048  }
0xb2: {  	_ =	swait.ge [sflag:s29], $0x1  }
0xb3: {  	[sflag:s29] =	ssyncadd.s32 $0xFFFFFFFF  }
0xb4: {  	_ =	strace $0x90000048  }
0xb5: {  	_ =	sfence  }
0xb6: {  	s30 =	sld [smem:$0x0];
	_ =	sdelay $0x2  }
0xb7: {  	s31 =	sshll.u32 s1, $0xD;
	s1 =	sshrl.u32 s1, $0x2  }
0xb8: {  	s3 =	sand.u32 $0x4000, s31;
	s1 =	sadd.s32 s1, s30  }
0xb9: {  	s0 =	sor.u32 s3, s0;
	s1 =	sshll.u32 s1, $0x11  }
0xba: {  	s0 =	sor.u32 s1, s0  }
0xbb: {  	s0 =	sadd.s32 $0x8F2B, s0  }
0xbc: {  	[sflag:s0] =	ssyncadd.remote.s32 $0x1  }
0xbd: {  	_ =	sfence.sel $0xFFFF  }
0xbe: {  	[dreg:$0x0] =	wrdreg $0xFFFFFFFF;
	(pc) =	sbr.abs _section_cstart, $3  }
0xbf: {  	[dreg:$0x1] =	wrdreg $0xFFFFFFFF  }
0xc0: {  	_ =	task.clear_ibuf [dreg:s6], $0x2FFFF;
	_ =	strace $0x9FFFFFFF  }
0xc1: {  	(tm) =	ssettm $0x7FFFFFFF  }
tec
execute0_lowered:
.L_overlay_start_1:
0x0: {  	(tag) =	ssettag $0x1  }
0x1: {  	s3 =	rddreg [dreg:$0x0]  }
0x2: {  	s2 =	srdreg.scid;
	s0 =	rddreg [dreg:$0x1]  }
0x3: {  	s1 =	stileid.u32;
	s9 =	simm.s32 $0x800;
	s10 =	simm.s32 $0x2800  }
0x4: {  	s11 =	simm.s32 $0x1;
	s12 =	simm.s32 $0x2;
	s13 =	simm.s32 $0x3  }
0x5: {  	s14 =	simm.s32 $0x4;
	s15 =	simm.s32 $0x0;
	s4 =	sand.u32 $0x1, s2  }
0x6: {  	s2 =	simm.s32 $0x0;
	s5 =	sshll.u32 s1, $0xC;
	s31 =	sshll.u32 s1, $0xF  }
0x7: {  	s6 =	sshll.u32 s4, $0xB;
	[smem:$0x7FF] =	sst s2;
	s7 =	ssub.s32 $0x2, s4  }
0x8: {  	s4 =	sshll.u32 s4, $0xE;
	s5 =	sor.u32 s6, s5;
	_ =	strace $0x80000047  }
0x9: {  	s6 =	sadd.s32 s31, s3;
	s8 =	sshrl.u32 s7, $0x1;
	s5 =	sshrl.u32 s5, $0x3  }
0xa: {  	s7 =	ssub.s32 s7, s8;
	s6 =	sadd.s32 s4, s6;
	s8 =	simm.s32 $0x80  }
0xb: {  	s5 =	sadd.s32 s5, s3;
	s3 =	sadd.s32 $0x2400, s3;
	s6 =	sadd.s32 $0xDC00, s6  }
0xc: {  	s4 =	sadd.s32 $0xBC00, s5;
	s5 =	smax.u32 s7, $0x1;
	s7 =	simm.s32 $0x5  }
.LBB2_1:
0xd: {  	[tilespmem:s2], [sflag:$0x5] =	stream.linear.gather [hbm4b:s4+s2], $0x800, $0x38;
	[tilespmem:$0x4800] =	vst v63  }
0xe: {  	_ =	swait.ge [sflag:s7], $0x800  }
0xf: {  	[sflag:s7] =	ssyncset.done $0x0  }
0x10: {  	s16 =	simm.s32 $0x0;
	[sflag:s7] =	ssyncadd.s32 $0xFFFFF800  }
0x11: {  	[tilespmem:s9], [sflag:$0x1] =	stream.indirect.gather [hbm4b:s3+s8], $0x40, s16, s8, $0xb8;
	[tilespmem:$0x4800] =	vst v63  }
0x12: {  	s30 =	simm.s32 $0x80  }
0x13: {  	[tilespmem:s10], [sflag:$0x2] =	stream.indirect.gather [hbm4b:s3+s8], $0x40, s30, s8, $0xb8;
	[tilespmem:$0x4800] =	vst v63  }
0x14: {  	_ =	swait.ge [sflag:s11], $0x2000  }
0x15: {  	[sflag:s11] =	ssyncset.done $0x0  }
0x16: {  	[sflag:s11] =	ssyncadd.s32 $0xFFFFE000  }
0x17: {  	[hbm4b:s6+s2] =	stream.linear.scatter [tilespmem:s9], [sflag:$0x3], $0x2000, $0x38;
	[tilespmem:$0x4800] =	vst v63  }
0x18: {  	_ =	swait.ge [sflag:s12], $0x2000  }
0x19: {  	[sflag:s12] =	ssyncset.done $0x0  }
0x1a: {  	s31 =	sadd.s32 $0x400, s6;
	[sflag:s12] =	ssyncadd.s32 $0xFFFFE000  }
0x1b: {  	[hbm4b:s31+s2] =	stream.linear.scatter [tilespmem:s10], [sflag:$0x4], $0x2000, $0x38;
	[tilespmem:$0x4800] =	vst v63  }
0x1c: {  	_ =	swait.ge [sflag:s13], $0x2000  }
0x1d: {  	[sflag:s13] =	ssyncset.done $0x0  }
0x1e: {  	[sflag:s13] =	ssyncadd.s32 $0xFFFFE000  }
0x1f: {  	s17 =	simm.s32 $0x400;
	_ =	swait.ge [sflag:s14], $0x2000  }
0x20: {  	s18 =	simm.s32 $0x800;
	s16 =	sadd.s32 $0x800, s6;
	[sflag:s14] =	ssyncset.done $0x0  }
.LBB2_2:
0x21: {  	s19 =	sshra.s32 s17, $0x2  }
0x22: {  	[sflag:s14] =	ssyncadd.s32 $0xFFFFE000;
	s17 =	smov.u32 s18;
	s20 =	sadd.s32 $0x400, s18  }
0x23: {  	[tilespmem:s9], [sflag:$0x1] =	stream.indirect.gather [hbm4b:s3+s8], $0x40, s19, s8, $0xb8;
	[tilespmem:$0x4800] =	vst v63  }
0x24: {  	p0 =	sne.s32 s18, $0x1C00;
	s18 =	sadd.s32 $0x80, s19  }
0x25: {  	[tilespmem:s10], [sflag:$0x2] =	stream.indirect.gather [hbm4b:s3+s8], $0x40, s18, s8, $0xb8;
	[tilespmem:$0x4800] =	vst v63  }
0x26: {  	_ =	swait.ge [sflag:s11], $0x2000  }
0x27: {  	[sflag:s11] =	ssyncset.done $0x0  }
0x28: {  	[sflag:s11] =	ssyncadd.s32 $0xFFFFE000  }
0x29: {  	[hbm4b:s16+s2] =	stream.linear.scatter [tilespmem:s9], [sflag:$0x3], $0x2000, $0x38;
	[tilespmem:$0x4800] =	vst v63  }
0x2a: {  	_ =	swait.ge [sflag:s12], $0x2000  }
0x2b: {  	[sflag:s12] =	ssyncset.done $0x0  }
0x2c: {  	s18 =	sadd.s32 $0x400, s16;
	[sflag:s12] =	ssyncadd.s32 $0xFFFFE000  }
0x2d: {  	[hbm4b:s18+s2] =	stream.linear.scatter [tilespmem:s10], [sflag:$0x4], $0x2000, $0x38;
	[tilespmem:$0x4800] =	vst v63  }
.Ltmp0:
0x2e: {  	_ =	swait.ge [sflag:s13], $0x2000;
	(pc) =	sbr.rel @p0 .LBB2_2-.Ltmp0, $4  }
0x2f: {  	[sflag:s13] =	ssyncset.done $0x0  }
0x30: {  	[sflag:s13] =	ssyncadd.s32 $0xFFFFE000  }
0x31: {  	_ =	swait.ge [sflag:s14], $0x2000  }
0x32: {  	s16 =	sadd.s32 $0x800, s16;
	s18 =	smov.u32 s20;
	[sflag:s14] =	ssyncset.done $0x0  }
0x33: {  	s17 =	sshra.s32 s17, $0x2;
	[sflag:s14] =	ssyncadd.s32 $0xFFFFE000  }
0x34: {  	[tilespmem:s9], [sflag:$0x1] =	stream.indirect.gather [hbm4b:s3+s8], $0x40, s17, s8, $0xb8;
	[tilespmem:$0x4800] =	vst v63  }
0x35: {  	s17 =	sadd.s32 $0x80, s17  }
0x36: {  	[tilespmem:s10], [sflag:$0x2] =	stream.indirect.gather [hbm4b:s3+s8], $0x40, s17, s8, $0xb8;
	[tilespmem:$0x4800] =	vst v63  }
0x37: {  	_ =	swait.ge [sflag:s11], $0x2000  }
0x38: {  	[sflag:s11] =	ssyncset.done $0x0  }
0x39: {  	[sflag:s11] =	ssyncadd.s32 $0xFFFFE000  }
0x3a: {  	[hbm4b:s16+s2] =	stream.linear.scatter [tilespmem:s9], [sflag:$0x3], $0x2000, $0x38;
	[tilespmem:$0x4800] =	vst v63  }
0x3b: {  	_ =	swait.ge [sflag:s12], $0x2000  }
0x3c: {  	[sflag:s12] =	ssyncset.done $0x0  }
0x3d: {  	s31 =	sadd.s32 $0x400, s16;
	s15 =	sadd.s32 $0x1, s15;
	[sflag:s12] =	ssyncadd.s32 $0xFFFFE000  }
0x3e: {  	[hbm4b:s31+s2] =	stream.linear.scatter [tilespmem:s10], [sflag:$0x4], $0x2000, $0x38;
	[tilespmem:$0x4800] =	vst v63  }
0x3f: {  	p0 =	sne.s32 s15, s5;
	_ =	swait.ge [sflag:s13], $0x2000  }
.Ltmp1:
0x40: {  	[sflag:s13] =	ssyncset.done $0x0;
	(pc) =	sbr.rel @p0 .LBB2_1-.Ltmp1, $4  }
0x41: {  	[sflag:s13] =	ssyncadd.s32 $0xFFFFE000  }
0x42: {  	_ =	swait.ge [sflag:s14], $0x2000  }
0x43: {  	[sflag:s14] =	ssyncset.done $0x0  }
0x44: {  	[sflag:s14] =	ssyncadd.s32 $0xFFFFE000  }
0x45: {  	_ =	sfence.sel $0x180000  }
0x46: {  	[bflag:$0x0] =	sbarrier.arrive $0xFFFF  }
0x47: {  	p0 =	sne.s32 s1, $0x0;
	_ =	strace $0x90000047  }
0x48: {  	s0 =	sadd.s32 @!p0 $0x100000, s0;
	[bflag:$0x2] =	sbarrier.arrive $0xFFFF  }
0x49: {  	[sflag:s0] =	ssyncadd.tile.s32 @!p0 $0x1;
	_ =	shalt  }
.Lfunc_end2:
_tile_overlayer_lowered:
.L_overlay_start_2:
0x4a: {  	(tag) =	ssettag $0x2  }
0x4b: {  	s0 =	rddreg [dreg:$0x0];
	s2 =	stileid.u32  }
0x4c: {  	s1 =	rddreg [dreg:$0x1];
	p0 =	sne.s32 s2, $0x0  }
0x4d: {  	s3 =	rddreg [dreg:$0x2];
	[bflag:$0x3] =	sbarrier.arrive $0xFFFF;
	s2 =	simm.s32 @!p0 $0x1C05  }
0x4e: {  	[timem:s3], [sflag:s2] =	dma.local @!p0 [hbm:s0], s1  }
0x4f: {  	s0 =	simm.s32 @!p0 $0x5  }
0x50: {  	_ =	swait.ge @!p0 [sflag:s0], s1  }
0x51: {  	s1 =	ssub.s32 @!p0 $0x0, s1;
	[sflag:s0] =	ssyncset.done @!p0 $0x0  }
0x52: {  	[sflag:s0] =	ssyncadd.s32 @!p0 s1  }
0x53: {  	[bflag:$0x3] =	sbarrier.arrive $0xFFFF  }
0x54: {  	_ =	shalt  }

</sc_bundles>
